<compile_context>
chip_gen: v7x
topology: tpu7x:2x2x1
jax: 0.10.2.dev20260603
libtpu: 0.0.44.dev20260713+nightly
codegen_flags: <defaults>
</compile_context>

<pallas_src>
import functools

import jax
import jax.numpy as jnp
from jax import lax
from jax.experimental import pallas as pl
from jax.experimental.pallas import tpu as pltpu
from jax.experimental.pallas import tpu_sc as plsc

N = 2048
D = 768
F = 1536
E = 64
TM = 128
TG = 64
G_MAX = N // TG + E - 1
G_PAD = 128
P_MAX = G_MAX * TG
NW = 32
CHUNK = N // NW


def _router_body(x_ref, wr_ref, br_ref,
                 dest_ref, win_ref, se_ref, st_ref, vd_ref,
                 oh_ref, cs_ref):
    x = x_ref[...]
    logits = lax.dot_general(x, wr_ref[...], (((1,), (1,)), ((), ())),
                             preferred_element_type=jnp.float32) + br_ref[...]
    lmax = jnp.max(logits, axis=1, keepdims=True)
    ee = jnp.exp(logits - lmax)
    probs = ee / jnp.sum(ee, axis=1, keepdims=True)
    pmax = jnp.max(probs, axis=1, keepdims=True)
    eids = lax.broadcasted_iota(jnp.int32, (N, E), 1)
    idx = jnp.min(jnp.where(probs >= pmax, eids, E), axis=1, keepdims=True)
    onehot = (eids == idx).astype(jnp.float32)
    oh_ref[...] = onehot

    tri = (lax.broadcasted_iota(jnp.int32, (TM, TM), 1)
           <= lax.broadcasted_iota(jnp.int32, (TM, TM), 0)).astype(jnp.float32)

    def blk(b, tot):
        oh = oh_ref[pl.ds(b * TM, TM), :]
        c = lax.dot_general(tri, oh, (((1,), (0,)), ((), ())),
                            preferred_element_type=jnp.float32) + tot
        cs_ref[pl.ds(b * TM, TM), :] = c
        return c[TM - 1:TM, :]

    tot = lax.fori_loop(0, N // TM, blk, jnp.zeros((1, E), jnp.float32))
    rank = jnp.sum(onehot * cs_ref[...], axis=1, keepdims=True) - 1.0

    counts = tot.astype(jnp.int32)
    tiles_e = lax.shift_right_logical(counts + (TG - 1), 6)
    triE = (lax.broadcasted_iota(jnp.int32, (E, E), 0)
            <= lax.broadcasted_iota(jnp.int32, (E, E), 1)).astype(jnp.float32)
    bounds = lax.dot_general(tiles_e.astype(jnp.float32), triE,
                             (((1,), (0,)), ((), ())),
                             preferred_element_type=jnp.float32)
    n_tiles = bounds[0, E - 1].astype(jnp.int32)
    pad_off = (bounds - tiles_e.astype(jnp.float32)) * float(TG)
    dest = jnp.sum(onehot * pad_off, axis=1, keepdims=True) + rank
    dest_ref[...] = dest.astype(jnp.int32)
    win_ref[...] = jnp.broadcast_to(pmax, (N, 128))

    g_col = lax.broadcasted_iota(jnp.int32, (G_PAD, 1), 0)
    st = jnp.minimum(g_col, n_tiles - 1)
    st_ref[...] = st
    vd_ref[...] = (g_col < n_tiles).astype(jnp.int32)
    se_ref[...] = jnp.sum((bounds <= st.astype(jnp.float32))
                          .astype(jnp.int32), axis=1, keepdims=True)


_router = pl.pallas_call(
    _router_body,
    out_shape=(
        jax.ShapeDtypeStruct((N, 1), jnp.int32),
        jax.ShapeDtypeStruct((N, 128), jnp.float32),
        jax.ShapeDtypeStruct((G_PAD, 1), jnp.int32),
        jax.ShapeDtypeStruct((G_PAD, 1), jnp.int32),
        jax.ShapeDtypeStruct((G_PAD, 1), jnp.int32),
    ),
    scratch_shapes=[pltpu.VMEM((N, E), jnp.float32),
                    pltpu.VMEM((N, E), jnp.float32)],
)


NCH = 2
SCH = CHUNK // NCH


def _dispatch_body(x_hbm, dest_hbm, win_hbm, xpad_hbm, wpad_hbm,
                   idx_v, rows_v, wrow_v, dsem, wsem, ssem, *xsems):
    wid = lax.axis_index("s") * 2 + lax.axis_index("c")
    base = wid * CHUNK
    ld = pltpu.async_copy(dest_hbm.at[pl.ds(wid * NCH, NCH)], idx_v, dsem)
    lw = pltpu.async_copy(win_hbm.at[pl.ds(base, CHUNK)], wrow_v, wsem)
    lx = [pltpu.async_copy(x_hbm.at[pl.ds(base + k * SCH, SCH)],
                           rows_v.at[pl.ds(k * SCH, SCH)], xsems[k])
          for k in range(NCH)]
    ld.wait()
    sc = []
    for k in range(NCH):
        lx[k].wait()
        sc.append(pltpu.async_copy(rows_v.at[pl.ds(k * SCH, SCH)],
                                   xpad_hbm.at[idx_v.at[k]], ssem))
    lw.wait()
    for k in range(NCH):
        sc.append(pltpu.async_copy(wrow_v.at[pl.ds(k * SCH, SCH)],
                                   wpad_hbm.at[idx_v.at[k]], ssem))
    for c in sc:
        c.wait()


_dispatch = functools.partial(
    pl.kernel,
    mesh=plsc.VectorSubcoreMesh(core_axis_name="c", subcore_axis_name="s"),
    out_type=(jax.ShapeDtypeStruct((P_MAX, D), jnp.float32),
              jax.ShapeDtypeStruct((P_MAX, 128), jnp.float32)),
    scratch_types=[pltpu.VMEM((NCH, SCH), jnp.int32),
                   pltpu.VMEM((CHUNK, D), jnp.float32),
                   pltpu.VMEM((CHUNK, 128), jnp.float32),
                   pltpu.SemaphoreType.DMA,
                   pltpu.SemaphoreType.DMA,
                   pltpu.SemaphoreType.DMA,
                   pltpu.SemaphoreType.DMA,
                   pltpu.SemaphoreType.DMA],
)(_dispatch_body)


def _gmm_body(se_ref, st_ref, vd_ref, x_ref, wp_ref, w1_ref, b1_ref, w2_ref,
              b2_ref, o_ref):
    @pl.when(vd_ref[pl.program_id(0)] == 1)
    def _():
        xg = x_ref[...]
        h = jnp.maximum(
            lax.dot_general(xg, w1_ref[0], (((1,), (1,)), ((), ())),
                            preferred_element_type=jnp.float32)
            + b1_ref[0], 0.0)
        eo = lax.dot_general(h, w2_ref[0], (((1,), (1,)), ((), ())),
                             preferred_element_type=jnp.float32) + b2_ref[0]
        o_ref[...] = eo * wp_ref[:, 0:1]


_gmm = pl.pallas_call(
    _gmm_body,
    grid_spec=pltpu.PrefetchScalarGridSpec(
        num_scalar_prefetch=3,
        grid=(G_MAX,),
        in_specs=[
            pl.BlockSpec((TG, D), lambda g, se, st, vd: (st[g], 0)),
            pl.BlockSpec((TG, 128), lambda g, se, st, vd: (st[g], 0)),
            pl.BlockSpec((1, F, D), lambda g, se, st, vd: (se[g], 0, 0)),
            pl.BlockSpec((1, 1, F), lambda g, se, st, vd: (se[g], 0, 0)),
            pl.BlockSpec((1, D, F), lambda g, se, st, vd: (se[g], 0, 0)),
            pl.BlockSpec((1, 1, D), lambda g, se, st, vd: (se[g], 0, 0)),
        ],
        out_specs=pl.BlockSpec((TG, D), lambda g, se, st, vd: (st[g], 0)),
    ),
    out_shape=jax.ShapeDtypeStruct((P_MAX, D), jnp.float32),
    compiler_params=pltpu.CompilerParams(
        dimension_semantics=("arbitrary",)),
)


def _combine_body(opad_hbm, dest_hbm, y_hbm, idx_v, rows_v, ssem, *gsems):
    wid = lax.axis_index("s") * 2 + lax.axis_index("c")
    base = wid * CHUNK
    pltpu.sync_copy(dest_hbm.at[pl.ds(wid * NCH, NCH)], idx_v)
    gs = [pltpu.async_copy(opad_hbm.at[idx_v.at[k]],
                           rows_v.at[pl.ds(k * SCH, SCH)], gsems[k])
          for k in range(NCH)]
    st = []
    for k in range(NCH):
        gs[k].wait()
        st.append(pltpu.async_copy(rows_v.at[pl.ds(k * SCH, SCH)],
                                   y_hbm.at[pl.ds(base + k * SCH, SCH)], ssem))
    for c in st:
        c.wait()


_combine = functools.partial(
    pl.kernel,
    mesh=plsc.VectorSubcoreMesh(core_axis_name="c", subcore_axis_name="s"),
    out_type=jax.ShapeDtypeStruct((N, D), jnp.float32),
    scratch_types=[pltpu.VMEM((NCH, SCH), jnp.int32),
                   pltpu.VMEM((CHUNK, D), jnp.float32),
                   pltpu.SemaphoreType.DMA,
                   pltpu.SemaphoreType.DMA,
                   pltpu.SemaphoreType.DMA],
)(_combine_body)


def kernel(x, Wr, br, W1, b1, W2, b2):
    dest2, win, se2, st2, vd2 = _router(x, Wr, br.reshape(1, E))
    destc = dest2.reshape(N // SCH, SCH)
    xpad, wpad = _dispatch(x, destc, win)
    opad = _gmm(se2.reshape(G_PAD), st2.reshape(G_PAD), vd2.reshape(G_PAD),
                xpad, wpad, W1, b1.reshape(E, 1, F), W2, b2.reshape(E, 1, D))
    return _combine(opad, destc)

# --- scband reference (transcript-rebuilt; emitter-appended) ---
"""Pipeline reference for scband-mo-elayer-51745765982346 (READ-ONLY COPY).

The authoritative reference and input builder live on the scoring server;
editing this copy changes nothing except your own understanding.
"""

import jax, jax.numpy as jnp
import numpy as np

D_MODEL = 768
D_FF = 1536
E = 64
N_TOK = 2048


def setup_inputs(seed: int = 0) -> dict:
    key = jax.random.key(seed)
    ks = jax.random.split(key, 5)
    x = jax.random.normal(ks[0], (N_TOK, D_MODEL), dtype=jnp.float32)
    Wr = jax.random.normal(ks[1], (E, D_MODEL), dtype=jnp.float32) * (1.0 / np.sqrt(D_MODEL))
    br = jnp.zeros((E,), dtype=jnp.float32)
    W1 = jax.random.normal(ks[2], (E, D_FF, D_MODEL), dtype=jnp.float32) * (1.0 / np.sqrt(D_MODEL))
    b1 = jnp.zeros((E, D_FF), dtype=jnp.float32)
    W2 = jax.random.normal(ks[3], (E, D_MODEL, D_FF), dtype=jnp.float32) * (1.0 / np.sqrt(D_FF))
    b2 = jnp.zeros((E, D_MODEL), dtype=jnp.float32)
    return {"x": x, "Wr": Wr, "br": br, "W1": W1, "b1": b1, "W2": W2, "b2": b2}


def reference(x, Wr, br, W1, b1, W2, b2):
    # router: Linear(d_model -> E)
    router_logits = x @ Wr.T + br
    probs = jax.nn.softmax(router_logits, axis=-1)
    expert_idx = jnp.argmax(probs, axis=-1)
    # weights = probs.gather(1, expert_idx.unsqueeze(1)).squeeze(1)
    weights = jnp.take_along_axis(probs, expert_idx[:, None], axis=1)[:, 0]
    out = jnp.zeros_like(x)
    num_experts = Wr.shape[0]

    def body(i, out):
        h = jax.nn.relu(x @ W1[i].T + b1[i])
        eo = h @ W2[i].T + b2[i]
        sel = (expert_idx == i)[:, None]
        return jnp.where(sel, eo * weights[:, None], out)

    out = jax.lax.fori_loop(0, num_experts, body, out)
    return out

if __name__ == "__main__":
    import jax
    _d = setup_inputs()
    print(jax.jit(kernel)(*tuple(_d.values())))

</pallas_src>

<mosaic_0001>
#map = affine_map<(d0, d1) -> (0, 0)>
module attributes {stable_mosaic.version = 14 : i64} {
  func.func @_combine_body(%arg0: i32, %arg1: i32, %arg2: memref<6080x768xf32, #tpu.memory_space<hbm>>, %arg3: memref<64x32xi32, #tpu.memory_space<hbm>>, %arg4: memref<2048x768xf32, #tpu.memory_space<hbm>>, %arg5: memref<2x32xi32, #tpu.memory_space<vmem>>, %arg6: memref<64x768xf32, #tpu.memory_space<vmem>>, %arg7: memref<!tpu.dma_semaphore, #tpu.memory_space<semaphore_mem>>, %arg8: memref<!tpu.dma_semaphore, #tpu.memory_space<semaphore_mem>>, %arg9: memref<!tpu.dma_semaphore, #tpu.memory_space<semaphore_mem>>) attributes {dimension_semantics = [#tpu.dimension_semantics<core_parallel>, #tpu.dimension_semantics<subcore_parallel>], iteration_bounds = array<i64: 2, 16>, scalar_prefetch = 0 : i64, scratch_operands = 5 : i64, tpu.core_type = #tpu.core_type<sc_vector_subcore>, window_params = [{transform_indices = #map}, {transform_indices = #map}, {transform_indices = #map}]} {
    %mul3A = arith.constant 2 : i32
    %mul3A_0 = arith.muli %arg1, %mul3A : i32
    %add3A = arith.addi %mul3A_0, %arg0 : i32
    %mul3A_1 = arith.constant 64 : i32
    %mul3A_2 = arith.muli %add3A, %mul3A_1 : i32
    %mul3A_3 = arith.constant 2 : i32
    %mul3A_4 = arith.muli %add3A, %mul3A_3 : i32
    "tpu.region"() ({
      %run_scoped3A = tpu.sem_alloc : memref<!tpu.dma_semaphore, #tpu.memory_space<semaphore_mem>>
      %dma_start3A_87 = arith.constant 0 : i32
      %dma_start3A_88 = tpu.memref_slice %arg3[%mul3A_4, %dma_start3A_87] : memref<64x32xi32, #tpu.memory_space<hbm>> -> memref<2x32xi32, #tpu.memory_space<hbm>>
      %dma_start3A_89 = arith.constant 0 : i32
      %dma_start3A_90 = tpu.memref_slice %arg3[%mul3A_4, %dma_start3A_89] : memref<64x32xi32, #tpu.memory_space<hbm>> -> memref<2x32xi32, #tpu.memory_space<hbm>>
      tpu.enqueue_dma source(%dma_start3A_90 : memref<2x32xi32, #tpu.memory_space<hbm>>) target(%arg5 : memref<2x32xi32, #tpu.memory_space<vmem>>) target_semaphore(%run_scoped3A : memref<!tpu.dma_semaphore, #tpu.memory_space<semaphore_mem>>)
      %dma_wait3A_91 = arith.constant 0 : i32
      %dma_wait3A_92 = tpu.memref_slice %arg3[%mul3A_4, %dma_wait3A_91] : memref<64x32xi32, #tpu.memory_space<hbm>> -> memref<2x32xi32, #tpu.memory_space<hbm>>
      %dma_wait3A_93 = arith.constant 0 : i32
      %dma_wait3A_94 = tpu.memref_slice %arg3[%mul3A_4, %dma_wait3A_93] : memref<64x32xi32, #tpu.memory_space<hbm>> -> memref<2x32xi32, #tpu.memory_space<hbm>>
      tpu.wait_dma2 semaphore(%run_scoped3A : memref<!tpu.dma_semaphore, #tpu.memory_space<semaphore_mem>>) src(%dma_wait3A_94 : memref<2x32xi32, #tpu.memory_space<hbm>>) dst(%arg5 : memref<2x32xi32, #tpu.memory_space<vmem>>)
      tpu.yield
    }) : () -> ()
    %dma_start3A = arith.constant 0 : i32
    %dma_start3A_5 = arith.constant 0 : i32
    %dma_start3A_6 = arith.constant 0 : i32
    %dma_start3A_7 = tpu.memref_slice %arg6[%dma_start3A_5, %dma_start3A_6] : memref<64x768xf32, #tpu.memory_space<vmem>> -> memref<32x768xf32, #tpu.memory_space<vmem>>
    %dma_start3A_8 = arith.constant 0 : i32
    %dma_start3A_9 = tpu.memref_slice %arg5[%dma_start3A, %dma_start3A_8] : memref<2x32xi32, #tpu.memory_space<vmem>> -> memref<1x32xi32, #tpu.memory_space<vmem>>
    %dma_start3A_10 = tpu.memref_squeeze %dma_start3A_9 : memref<1x32xi32, #tpu.memory_space<vmem>> -> memref<32xi32, #tpu.memory_space<vmem>>
    %dma_start3A_11 = arith.constant 0 : i32
    %dma_start3A_12 = arith.constant 0 : i32
    %dma_start3A_13 = tpu.memref_slice %arg2[%dma_start3A_11, %dma_start3A_12] : memref<6080x768xf32, #tpu.memory_space<hbm>> -> memref<6080x768xf32, #tpu.memory_space<hbm>>
    tpu.enqueue_indirect_dma source(%dma_start3A_13 : memref<6080x768xf32, #tpu.memory_space<hbm>>) target(%dma_start3A_7 : memref<32x768xf32, #tpu.memory_space<vmem>>) offsets(%dma_start3A_10 : memref<32xi32, #tpu.memory_space<vmem>>) semaphore(%arg8 : memref<!tpu.dma_semaphore, #tpu.memory_space<semaphore_mem>>)
    %dma_start3A_14 = arith.constant 1 : i32
    %dma_start3A_15 = arith.constant 32 : i32
    %dma_start3A_16 = arith.constant 0 : i32
    %dma_start3A_17 = tpu.memref_slice %arg6[%dma_start3A_15, %dma_start3A_16] : memref<64x768xf32, #tpu.memory_space<vmem>> -> memref<32x768xf32, #tpu.memory_space<vmem>>
    %dma_start3A_18 = arith.constant 0 : i32
    %dma_start3A_19 = tpu.memref_slice %arg5[%dma_start3A_14, %dma_start3A_18] : memref<2x32xi32, #tpu.memory_space<vmem>> -> memref<1x32xi32, #tpu.memory_space<vmem>>
    %dma_start3A_20 = tpu.memref_squeeze %dma_start3A_19 : memref<1x32xi32, #tpu.memory_space<vmem>> -> memref<32xi32, #tpu.memory_space<vmem>>
    %dma_start3A_21 = arith.constant 0 : i32
    %dma_start3A_22 = arith.constant 0 : i32
    %dma_start3A_23 = tpu.memref_slice %arg2[%dma_start3A_21, %dma_start3A_22] : memref<6080x768xf32, #tpu.memory_space<hbm>> -> memref<6080x768xf32, #tpu.memory_space<hbm>>
    tpu.enqueue_indirect_dma source(%dma_start3A_23 : memref<6080x768xf32, #tpu.memory_space<hbm>>) target(%dma_start3A_17 : memref<32x768xf32, #tpu.memory_space<vmem>>) offsets(%dma_start3A_20 : memref<32xi32, #tpu.memory_space<vmem>>) semaphore(%arg9 : memref<!tpu.dma_semaphore, #tpu.memory_space<semaphore_mem>>)
    %dma_wait3A = arith.constant 0 : i32
    %dma_wait3A_24 = arith.constant 0 : i32
    %dma_wait3A_25 = arith.constant 0 : i32
    %dma_wait3A_26 = tpu.memref_slice %arg6[%dma_wait3A_24, %dma_wait3A_25] : memref<64x768xf32, #tpu.memory_space<vmem>> -> memref<32x768xf32, #tpu.memory_space<vmem>>
    %dma_wait3A_27 = arith.constant 0 : i32
    %dma_wait3A_28 = tpu.memref_slice %arg5[%dma_wait3A, %dma_wait3A_27] : memref<2x32xi32, #tpu.memory_space<vmem>> -> memref<1x32xi32, #tpu.memory_space<vmem>>
    %dma_wait3A_29 = tpu.memref_squeeze %dma_wait3A_28 : memref<1x32xi32, #tpu.memory_space<vmem>> -> memref<32xi32, #tpu.memory_space<vmem>>
    %dma_wait3A_30 = arith.constant 0 : i32
    %dma_wait3A_31 = arith.constant 0 : i32
    %dma_wait3A_32 = tpu.memref_slice %arg2[%dma_wait3A_30, %dma_wait3A_31] : memref<6080x768xf32, #tpu.memory_space<hbm>> -> memref<6080x768xf32, #tpu.memory_space<hbm>>
    tpu.wait_indirect_dma semaphore(%arg8 : memref<!tpu.dma_semaphore, #tpu.memory_space<semaphore_mem>>) src(%dma_wait3A_32 : memref<6080x768xf32, #tpu.memory_space<hbm>>) dst(%dma_wait3A_26 : memref<32x768xf32, #tpu.memory_space<vmem>>)
    %add3A_33 = arith.constant 0 : i32
    %add3A_34 = arith.addi %mul3A_2, %add3A_33 : i32
    %dma_start3A_35 = arith.constant 0 : i32
    %dma_start3A_36 = arith.constant 0 : i32
    %dma_start3A_37 = tpu.memref_slice %arg6[%dma_start3A_35, %dma_start3A_36] : memref<64x768xf32, #tpu.memory_space<vmem>> -> memref<32x768xf32, #tpu.memory_space<vmem>>
    %dma_start3A_38 = arith.constant 0 : i32
    %dma_start3A_39 = tpu.memref_slice %arg4[%add3A_34, %dma_start3A_38] : memref<2048x768xf32, #tpu.memory_space<hbm>> -> memref<32x768xf32, #tpu.memory_space<hbm>>
    %dma_start3A_40 = arith.constant 0 : i32
    %dma_start3A_41 = tpu.memref_slice %arg4[%add3A_34, %dma_start3A_40] : memref<2048x768xf32, #tpu.memory_space<hbm>> -> memref<32x768xf32, #tpu.memory_space<hbm>>
    %dma_start3A_42 = arith.constant 0 : i32
    %dma_start3A_43 = arith.constant 0 : i32
    %dma_start3A_44 = tpu.memref_slice %arg6[%dma_start3A_42, %dma_start3A_43] : memref<64x768xf32, #tpu.memory_space<vmem>> -> memref<32x768xf32, #tpu.memory_space<vmem>>
    tpu.enqueue_dma source(%dma_start3A_44 : memref<32x768xf32, #tpu.memory_space<vmem>>) target(%dma_start3A_41 : memref<32x768xf32, #tpu.memory_space<hbm>>) target_semaphore(%arg7 : memref<!tpu.dma_semaphore, #tpu.memory_space<semaphore_mem>>)
    %dma_wait3A_45 = arith.constant 1 : i32
    %dma_wait3A_46 = arith.constant 32 : i32
    %dma_wait3A_47 = arith.constant 0 : i32
    %dma_wait3A_48 = tpu.memref_slice %arg6[%dma_wait3A_46, %dma_wait3A_47] : memref<64x768xf32, #tpu.memory_space<vmem>> -> memref<32x768xf32, #tpu.memory_space<vmem>>
    %dma_wait3A_49 = arith.constant 0 : i32
    %dma_wait3A_50 = tpu.memref_slice %arg5[%dma_wait3A_45, %dma_wait3A_49] : memref<2x32xi32, #tpu.memory_space<vmem>> -> memref<1x32xi32, #tpu.memory_space<vmem>>
    %dma_wait3A_51 = tpu.memref_squeeze %dma_wait3A_50 : memref<1x32xi32, #tpu.memory_space<vmem>> -> memref<32xi32, #tpu.memory_space<vmem>>
    %dma_wait3A_52 = arith.constant 0 : i32
    %dma_wait3A_53 = arith.constant 0 : i32
    %dma_wait3A_54 = tpu.memref_slice %arg2[%dma_wait3A_52, %dma_wait3A_53] : memref<6080x768xf32, #tpu.memory_space<hbm>> -> memref<6080x768xf32, #tpu.memory_space<hbm>>
    tpu.wait_indirect_dma semaphore(%arg9 : memref<!tpu.dma_semaphore, #tpu.memory_space<semaphore_mem>>) src(%dma_wait3A_54 : memref<6080x768xf32, #tpu.memory_space<hbm>>) dst(%dma_wait3A_48 : memref<32x768xf32, #tpu.memory_space<vmem>>)
    %add3A_55 = arith.constant 32 : i32
    %add3A_56 = arith.addi %mul3A_2, %add3A_55 : i32
    %dma_start3A_57 = arith.constant 32 : i32
    %dma_start3A_58 = arith.constant 0 : i32
    %dma_start3A_59 = tpu.memref_slice %arg6[%dma_start3A_57, %dma_start3A_58] : memref<64x768xf32, #tpu.memory_space<vmem>> -> memref<32x768xf32, #tpu.memory_space<vmem>>
    %dma_start3A_60 = arith.constant 0 : i32
    %dma_start3A_61 = tpu.memref_slice %arg4[%add3A_56, %dma_start3A_60] : memref<2048x768xf32, #tpu.memory_space<hbm>> -> memref<32x768xf32, #tpu.memory_space<hbm>>
    %dma_start3A_62 = arith.constant 0 : i32
    %dma_start3A_63 = tpu.memref_slice %arg4[%add3A_56, %dma_start3A_62] : memref<2048x768xf32, #tpu.memory_space<hbm>> -> memref<32x768xf32, #tpu.memory_space<hbm>>
    %dma_start3A_64 = arith.constant 32 : i32
    %dma_start3A_65 = arith.constant 0 : i32
    %dma_start3A_66 = tpu.memref_slice %arg6[%dma_start3A_64, %dma_start3A_65] : memref<64x768xf32, #tpu.memory_space<vmem>> -> memref<32x768xf32, #tpu.memory_space<vmem>>
    tpu.enqueue_dma source(%dma_start3A_66 : memref<32x768xf32, #tpu.memory_space<vmem>>) target(%dma_start3A_63 : memref<32x768xf32, #tpu.memory_space<hbm>>) target_semaphore(%arg7 : memref<!tpu.dma_semaphore, #tpu.memory_space<semaphore_mem>>)
    %dma_wait3A_67 = arith.constant 0 : i32
    %dma_wait3A_68 = arith.constant 0 : i32
    %dma_wait3A_69 = tpu.memref_slice %arg6[%dma_wait3A_67, %dma_wait3A_68] : memref<64x768xf32, #tpu.memory_space<vmem>> -> memref<32x768xf32, #tpu.memory_space<vmem>>
    %dma_wait3A_70 = arith.constant 0 : i32
    %dma_wait3A_71 = tpu.memref_slice %arg4[%add3A_34, %dma_wait3A_70] : memref<2048x768xf32, #tpu.memory_space<hbm>> -> memref<32x768xf32, #tpu.memory_space<hbm>>
    %dma_wait3A_72 = arith.constant 0 : i32
    %dma_wait3A_73 = tpu.memref_slice %arg4[%add3A_34, %dma_wait3A_72] : memref<2048x768xf32, #tpu.memory_space<hbm>> -> memref<32x768xf32, #tpu.memory_space<hbm>>
    %dma_wait3A_74 = arith.constant 0 : i32
    %dma_wait3A_75 = arith.constant 0 : i32
    %dma_wait3A_76 = tpu.memref_slice %arg6[%dma_wait3A_74, %dma_wait3A_75] : memref<64x768xf32, #tpu.memory_space<vmem>> -> memref<32x768xf32, #tpu.memory_space<vmem>>
    tpu.wait_dma2 semaphore(%arg7 : memref<!tpu.dma_semaphore, #tpu.memory_space<semaphore_mem>>) src(%dma_wait3A_76 : memref<32x768xf32, #tpu.memory_space<vmem>>) dst(%dma_wait3A_73 : memref<32x768xf32, #tpu.memory_space<hbm>>)
    %dma_wait3A_77 = arith.constant 32 : i32
    %dma_wait3A_78 = arith.constant 0 : i32
    %dma_wait3A_79 = tpu.memref_slice %arg6[%dma_wait3A_77, %dma_wait3A_78] : memref<64x768xf32, #tpu.memory_space<vmem>> -> memref<32x768xf32, #tpu.memory_space<vmem>>
    %dma_wait3A_80 = arith.constant 0 : i32
    %dma_wait3A_81 = tpu.memref_slice %arg4[%add3A_56, %dma_wait3A_80] : memref<2048x768xf32, #tpu.memory_space<hbm>> -> memref<32x768xf32, #tpu.memory_space<hbm>>
    %dma_wait3A_82 = arith.constant 0 : i32
    %dma_wait3A_83 = tpu.memref_slice %arg4[%add3A_56, %dma_wait3A_82] : memref<2048x768xf32, #tpu.memory_space<hbm>> -> memref<32x768xf32, #tpu.memory_space<hbm>>
    %dma_wait3A_84 = arith.constant 32 : i32
    %dma_wait3A_85 = arith.constant 0 : i32
    %dma_wait3A_86 = tpu.memref_slice %arg6[%dma_wait3A_84, %dma_wait3A_85] : memref<64x768xf32, #tpu.memory_space<vmem>> -> memref<32x768xf32, #tpu.memory_space<vmem>>
    tpu.wait_dma2 semaphore(%arg7 : memref<!tpu.dma_semaphore, #tpu.memory_space<semaphore_mem>>) src(%dma_wait3A_86 : memref<32x768xf32, #tpu.memory_space<vmem>>) dst(%dma_wait3A_83 : memref<32x768xf32, #tpu.memory_space<hbm>>)
    return
  }
}

#map = affine_map<(d0, d1) -> (0, 0)>
module attributes {stable_mosaic.version = 14 : i64} {
  func.func @_dispatch_body(%arg0: i32, %arg1: i32, %arg2: memref<2048x768xf32, #tpu.memory_space<hbm>>, %arg3: memref<64x32xi32, #tpu.memory_space<hbm>>, %arg4: memref<2048x128xf32, #tpu.memory_space<hbm>>, %arg5: memref<6080x768xf32, #tpu.memory_space<hbm>>, %arg6: memref<6080x128xf32, #tpu.memory_space<hbm>>, %arg7: memref<2x32xi32, #tpu.memory_space<vmem>>, %arg8: memref<64x768xf32, #tpu.memory_space<vmem>>, %arg9: memref<64x128xf32, #tpu.memory_space<vmem>>, %arg10: memref<!tpu.dma_semaphore, #tpu.memory_space<semaphore_mem>>, %arg11: memref<!tpu.dma_semaphore, #tpu.memory_space<semaphore_mem>>, %arg12: memref<!tpu.dma_semaphore, #tpu.memory_space<semaphore_mem>>, %arg13: memref<!tpu.dma_semaphore, #tpu.memory_space<semaphore_mem>>, %arg14: memref<!tpu.dma_semaphore, #tpu.memory_space<semaphore_mem>>) attributes {dimension_semantics = [#tpu.dimension_semantics<core_parallel>, #tpu.dimension_semantics<subcore_parallel>], iteration_bounds = array<i64: 2, 16>, scalar_prefetch = 0 : i64, scratch_operands = 8 : i64, tpu.core_type = #tpu.core_type<sc_vector_subcore>, window_params = [{transform_indices = #map}, {transform_indices = #map}, {transform_indices = #map}, {transform_indices = #map}, {transform_indices = #map}]} {
    %mul3A = arith.constant 2 : i32
    %mul3A_0 = arith.muli %arg1, %mul3A : i32
    %add3A = arith.addi %mul3A_0, %arg0 : i32
    %mul3A_1 = arith.constant 64 : i32
    %mul3A_2 = arith.muli %add3A, %mul3A_1 : i32
    %mul3A_3 = arith.constant 2 : i32
    %mul3A_4 = arith.muli %add3A, %mul3A_3 : i32
    %dma_start3A = arith.constant 0 : i32
    %dma_start3A_5 = tpu.memref_slice %arg3[%mul3A_4, %dma_start3A] : memref<64x32xi32, #tpu.memory_space<hbm>> -> memref<2x32xi32, #tpu.memory_space<hbm>>
    %dma_start3A_6 = arith.constant 0 : i32
    %dma_start3A_7 = tpu.memref_slice %arg3[%mul3A_4, %dma_start3A_6] : memref<64x32xi32, #tpu.memory_space<hbm>> -> memref<2x32xi32, #tpu.memory_space<hbm>>
    tpu.enqueue_dma source(%dma_start3A_7 : memref<2x32xi32, #tpu.memory_space<hbm>>) target(%arg7 : memref<2x32xi32, #tpu.memory_space<vmem>>) target_semaphore(%arg10 : memref<!tpu.dma_semaphore, #tpu.memory_space<semaphore_mem>>)
    %dma_start3A_8 = arith.constant 0 : i32
    %dma_start3A_9 = tpu.memref_slice %arg4[%mul3A_2, %dma_start3A_8] : memref<2048x128xf32, #tpu.memory_space<hbm>> -> memref<64x128xf32, #tpu.memory_space<hbm>>
    %dma_start3A_10 = arith.constant 0 : i32
    %dma_start3A_11 = tpu.memref_slice %arg4[%mul3A_2, %dma_start3A_10] : memref<2048x128xf32, #tpu.memory_space<hbm>> -> memref<64x128xf32, #tpu.memory_space<hbm>>
    tpu.enqueue_dma source(%dma_start3A_11 : memref<64x128xf32, #tpu.memory_space<hbm>>) target(%arg9 : memref<64x128xf32, #tpu.memory_space<vmem>>) target_semaphore(%arg11 : memref<!tpu.dma_semaphore, #tpu.memory_space<semaphore_mem>>)
    %add3A_12 = arith.constant 0 : i32
    %add3A_13 = arith.addi %mul3A_2, %add3A_12 : i32
    %dma_start3A_14 = arith.constant 0 : i32
    %dma_start3A_15 = arith.constant 0 : i32
    %dma_start3A_16 = tpu.memref_slice %arg8[%dma_start3A_14, %dma_start3A_15] : memref<64x768xf32, #tpu.memory_space<vmem>> -> memref<32x768xf32, #tpu.memory_space<vmem>>
    %dma_start3A_17 = arith.constant 0 : i32
    %dma_start3A_18 = tpu.memref_slice %arg2[%add3A_13, %dma_start3A_17] : memref<2048x768xf32, #tpu.memory_space<hbm>> -> memref<32x768xf32, #tpu.memory_space<hbm>>
    %dma_start3A_19 = arith.constant 0 : i32
    %dma_start3A_20 = arith.constant 0 : i32
    %dma_start3A_21 = tpu.memref_slice %arg8[%dma_start3A_19, %dma_start3A_20] : memref<64x768xf32, #tpu.memory_space<vmem>> -> memref<32x768xf32, #tpu.memory_space<vmem>>
    %dma_start3A_22 = arith.constant 0 : i32
    %dma_start3A_23 = tpu.memref_slice %arg2[%add3A_13, %dma_start3A_22] : memref<2048x768xf32, #tpu.memory_space<hbm>> -> memref<32x768xf32, #tpu.memory_space<hbm>>
    tpu.enqueue_dma source(%dma_start3A_23 : memref<32x768xf32, #tpu.memory_space<hbm>>) target(%dma_start3A_21 : memref<32x768xf32, #tpu.memory_space<vmem>>) target_semaphore(%arg13 : memref<!tpu.dma_semaphore, #tpu.memory_space<semaphore_mem>>)
    %add3A_24 = arith.constant 32 : i32
    %add3A_25 = arith.addi %mul3A_2, %add3A_24 : i32
    %dma_start3A_26 = arith.constant 32 : i32
    %dma_start3A_27 = arith.constant 0 : i32
    %dma_start3A_28 = tpu.memref_slice %arg8[%dma_start3A_26, %dma_start3A_27] : memref<64x768xf32, #tpu.memory_space<vmem>> -> memref<32x768xf32, #tpu.memory_space<vmem>>
    %dma_start3A_29 = arith.constant 0 : i32
    %dma_start3A_30 = tpu.memref_slice %arg2[%add3A_25, %dma_start3A_29] : memref<2048x768xf32, #tpu.memory_space<hbm>> -> memref<32x768xf32, #tpu.memory_space<hbm>>
    %dma_start3A_31 = arith.constant 32 : i32
    %dma_start3A_32 = arith.constant 0 : i32
    %dma_start3A_33 = tpu.memref_slice %arg8[%dma_start3A_31, %dma_start3A_32] : memref<64x768xf32, #tpu.memory_space<vmem>> -> memref<32x768xf32, #tpu.memory_space<vmem>>
    %dma_start3A_34 = arith.constant 0 : i32
    %dma_start3A_35 = tpu.memref_slice %arg2[%add3A_25, %dma_start3A_34] : memref<2048x768xf32, #tpu.memory_space<hbm>> -> memref<32x768xf32, #tpu.memory_space<hbm>>
    tpu.enqueue_dma source(%dma_start3A_35 : memref<32x768xf32, #tpu.memory_space<hbm>>) target(%dma_start3A_33 : memref<32x768xf32, #tpu.memory_space<vmem>>) target_semaphore(%arg14 : memref<!tpu.dma_semaphore, #tpu.memory_space<semaphore_mem>>)
    %dma_wait3A = arith.constant 0 : i32
    %dma_wait3A_36 = tpu.memref_slice %arg3[%mul3A_4, %dma_wait3A] : memref<64x32xi32, #tpu.memory_space<hbm>> -> memref<2x32xi32, #tpu.memory_space<hbm>>
    %dma_wait3A_37 = arith.constant 0 : i32
    %dma_wait3A_38 = tpu.memref_slice %arg3[%mul3A_4, %dma_wait3A_37] : memref<64x32xi32, #tpu.memory_space<hbm>> -> memref<2x32xi32, #tpu.memory_space<hbm>>
    tpu.wait_dma2 semaphore(%arg10 : memref<!tpu.dma_semaphore, #tpu.memory_space<semaphore_mem>>) src(%dma_wait3A_38 : memref<2x32xi32, #tpu.memory_space<hbm>>) dst(%arg7 : memref<2x32xi32, #tpu.memory_space<vmem>>)
    %dma_wait3A_39 = arith.constant 0 : i32
    %dma_wait3A_40 = arith.constant 0 : i32
    %dma_wait3A_41 = tpu.memref_slice %arg8[%dma_wait3A_39, %dma_wait3A_40] : memref<64x768xf32, #tpu.memory_space<vmem>> -> memref<32x768xf32, #tpu.memory_space<vmem>>
    %dma_wait3A_42 = arith.constant 0 : i32
    %dma_wait3A_43 = tpu.memref_slice %arg2[%add3A_13, %dma_wait3A_42] : memref<2048x768xf32, #tpu.memory_space<hbm>> -> memref<32x768xf32, #tpu.memory_space<hbm>>
    %dma_wait3A_44 = arith.constant 0 : i32
    %dma_wait3A_45 = arith.constant 0 : i32
    %dma_wait3A_46 = tpu.memref_slice %arg8[%dma_wait3A_44, %dma_wait3A_45] : memref<64x768xf32, #tpu.memory_space<vmem>> -> memref<32x768xf32, #tpu.memory_space<vmem>>
    %dma_wait3A_47 = arith.constant 0 : i32
    %dma_wait3A_48 = tpu.memref_slice %arg2[%add3A_13, %dma_wait3A_47] : memref<2048x768xf32, #tpu.memory_space<hbm>> -> memref<32x768xf32, #tpu.memory_space<hbm>>
    tpu.wait_dma2 semaphore(%arg13 : memref<!tpu.dma_semaphore, #tpu.memory_space<semaphore_mem>>) src(%dma_wait3A_48 : memref<32x768xf32, #tpu.memory_space<hbm>>) dst(%dma_wait3A_46 : memref<32x768xf32, #tpu.memory_space<vmem>>)
    %dma_start3A_49 = arith.constant 0 : i32
    %dma_start3A_50 = arith.constant 0 : i32
    %dma_start3A_51 = arith.constant 0 : i32
    %dma_start3A_52 = tpu.memref_slice %arg8[%dma_start3A_50, %dma_start3A_51] : memref<64x768xf32, #tpu.memory_space<vmem>> -> memref<32x768xf32, #tpu.memory_space<vmem>>
    %dma_start3A_53 = arith.constant 0 : i32
    %dma_start3A_54 = tpu.memref_slice %arg7[%dma_start3A_49, %dma_start3A_53] : memref<2x32xi32, #tpu.memory_space<vmem>> -> memref<1x32xi32, #tpu.memory_space<vmem>>
    %dma_start3A_55 = tpu.memref_squeeze %dma_start3A_54 : memref<1x32xi32, #tpu.memory_space<vmem>> -> memref<32xi32, #tpu.memory_space<vmem>>
    %dma_start3A_56 = arith.constant 0 : i32
    %dma_start3A_57 = arith.constant 0 : i32
    %dma_start3A_58 = tpu.memref_slice %arg5[%dma_start3A_56, %dma_start3A_57] : memref<6080x768xf32, #tpu.memory_space<hbm>> -> memref<6080x768xf32, #tpu.memory_space<hbm>>
    tpu.enqueue_indirect_dma source(%dma_start3A_52 : memref<32x768xf32, #tpu.memory_space<vmem>>) target(%dma_start3A_58 : memref<6080x768xf32, #tpu.memory_space<hbm>>) offsets(%dma_start3A_55 : memref<32xi32, #tpu.memory_space<vmem>>) semaphore(%arg12 : memref<!tpu.dma_semaphore, #tpu.memory_space<semaphore_mem>>)
    %dma_wait3A_59 = arith.constant 32 : i32
    %dma_wait3A_60 = arith.constant 0 : i32
    %dma_wait3A_61 = tpu.memref_slice %arg8[%dma_wait3A_59, %dma_wait3A_60] : memref<64x768xf32, #tpu.memory_space<vmem>> -> memref<32x768xf32, #tpu.memory_space<vmem>>
    %dma_wait3A_62 = arith.constant 0 : i32
    %dma_wait3A_63 = tpu.memref_slice %arg2[%add3A_25, %dma_wait3A_62] : memref<2048x768xf32, #tpu.memory_space<hbm>> -> memref<32x768xf32, #tpu.memory_space<hbm>>
    %dma_wait3A_64 = arith.constant 32 : i32
    %dma_wait3A_65 = arith.constant 0 : i32
    %dma_wait3A_66 = tpu.memref_slice %arg8[%dma_wait3A_64, %dma_wait3A_65] : memref<64x768xf32, #tpu.memory_space<vmem>> -> memref<32x768xf32, #tpu.memory_space<vmem>>
    %dma_wait3A_67 = arith.constant 0 : i32
    %dma_wait3A_68 = tpu.memref_slice %arg2[%add3A_25, %dma_wait3A_67] : memref<2048x768xf32, #tpu.memory_space<hbm>> -> memref<32x768xf32, #tpu.memory_space<hbm>>
    tpu.wait_dma2 semaphore(%arg14 : memref<!tpu.dma_semaphore, #tpu.memory_space<semaphore_mem>>) src(%dma_wait3A_68 : memref<32x768xf32, #tpu.memory_space<hbm>>) dst(%dma_wait3A_66 : memref<32x768xf32, #tpu.memory_space<vmem>>)
    %dma_start3A_69 = arith.constant 1 : i32
    %dma_start3A_70 = arith.constant 32 : i32
    %dma_start3A_71 = arith.constant 0 : i32
    %dma_start3A_72 = tpu.memref_slice %arg8[%dma_start3A_70, %dma_start3A_71] : memref<64x768xf32, #tpu.memory_space<vmem>> -> memref<32x768xf32, #tpu.memory_space<vmem>>
    %dma_start3A_73 = arith.constant 0 : i32
    %dma_start3A_74 = tpu.memref_slice %arg7[%dma_start3A_69, %dma_start3A_73] : memref<2x32xi32, #tpu.memory_space<vmem>> -> memref<1x32xi32, #tpu.memory_space<vmem>>
    %dma_start3A_75 = tpu.memref_squeeze %dma_start3A_74 : memref<1x32xi32, #tpu.memory_space<vmem>> -> memref<32xi32, #tpu.memory_space<vmem>>
    %dma_start3A_76 = arith.constant 0 : i32
    %dma_start3A_77 = arith.constant 0 : i32
    %dma_start3A_78 = tpu.memref_slice %arg5[%dma_start3A_76, %dma_start3A_77] : memref<6080x768xf32, #tpu.memory_space<hbm>> -> memref<6080x768xf32, #tpu.memory_space<hbm>>
    tpu.enqueue_indirect_dma source(%dma_start3A_72 : memref<32x768xf32, #tpu.memory_space<vmem>>) target(%dma_start3A_78 : memref<6080x768xf32, #tpu.memory_space<hbm>>) offsets(%dma_start3A_75 : memref<32xi32, #tpu.memory_space<vmem>>) semaphore(%arg12 : memref<!tpu.dma_semaphore, #tpu.memory_space<semaphore_mem>>)
    %dma_wait3A_79 = arith.constant 0 : i32
    %dma_wait3A_80 = tpu.memref_slice %arg4[%mul3A_2, %dma_wait3A_79] : memref<2048x128xf32, #tpu.memory_space<hbm>> -> memref<64x128xf32, #tpu.memory_space<hbm>>
    %dma_wait3A_81 = arith.constant 0 : i32
    %dma_wait3A_82 = tpu.memref_slice %arg4[%mul3A_2, %dma_wait3A_81] : memref<2048x128xf32, #tpu.memory_space<hbm>> -> memref<64x128xf32, #tpu.memory_space<hbm>>
    tpu.wait_dma2 semaphore(%arg11 : memref<!tpu.dma_semaphore, #tpu.memory_space<semaphore_mem>>) src(%dma_wait3A_82 : memref<64x128xf32, #tpu.memory_space<hbm>>) dst(%arg9 : memref<64x128xf32, #tpu.memory_space<vmem>>)
    %dma_start3A_83 = arith.constant 0 : i32
    %dma_start3A_84 = arith.constant 0 : i32
    %dma_start3A_85 = arith.constant 0 : i32
    %dma_start3A_86 = tpu.memref_slice %arg9[%dma_start3A_84, %dma_start3A_85] : memref<64x128xf32, #tpu.memory_space<vmem>> -> memref<32x128xf32, #tpu.memory_space<vmem>>
    %dma_start3A_87 = arith.constant 0 : i32
    %dma_start3A_88 = tpu.memref_slice %arg7[%dma_start3A_83, %dma_start3A_87] : memref<2x32xi32, #tpu.memory_space<vmem>> -> memref<1x32xi32, #tpu.memory_space<vmem>>
    %dma_start3A_89 = tpu.memref_squeeze %dma_start3A_88 : memref<1x32xi32, #tpu.memory_space<vmem>> -> memref<32xi32, #tpu.memory_space<vmem>>
    %dma_start3A_90 = arith.constant 0 : i32
    %dma_start3A_91 = arith.constant 0 : i32
    %dma_start3A_92 = tpu.memref_slice %arg6[%dma_start3A_90, %dma_start3A_91] : memref<6080x128xf32, #tpu.memory_space<hbm>> -> memref<6080x128xf32, #tpu.memory_space<hbm>>
    tpu.enqueue_indirect_dma source(%dma_start3A_86 : memref<32x128xf32, #tpu.memory_space<vmem>>) target(%dma_start3A_92 : memref<6080x128xf32, #tpu.memory_space<hbm>>) offsets(%dma_start3A_89 : memref<32xi32, #tpu.memory_space<vmem>>) semaphore(%arg12 : memref<!tpu.dma_semaphore, #tpu.memory_space<semaphore_mem>>)
    %dma_start3A_93 = arith.constant 1 : i32
    %dma_start3A_94 = arith.constant 32 : i32
    %dma_start3A_95 = arith.constant 0 : i32
    %dma_start3A_96 = tpu.memref_slice %arg9[%dma_start3A_94, %dma_start3A_95] : memref<64x128xf32, #tpu.memory_space<vmem>> -> memref<32x128xf32, #tpu.memory_space<vmem>>
    %dma_start3A_97 = arith.constant 0 : i32
    %dma_start3A_98 = tpu.memref_slice %arg7[%dma_start3A_93, %dma_start3A_97] : memref<2x32xi32, #tpu.memory_space<vmem>> -> memref<1x32xi32, #tpu.memory_space<vmem>>
    %dma_start3A_99 = tpu.memref_squeeze %dma_start3A_98 : memref<1x32xi32, #tpu.memory_space<vmem>> -> memref<32xi32, #tpu.memory_space<vmem>>
    %dma_start3A_100 = arith.constant 0 : i32
    %dma_start3A_101 = arith.constant 0 : i32
    %dma_start3A_102 = tpu.memref_slice %arg6[%dma_start3A_100, %dma_start3A_101] : memref<6080x128xf32, #tpu.memory_space<hbm>> -> memref<6080x128xf32, #tpu.memory_space<hbm>>
    tpu.enqueue_indirect_dma source(%dma_start3A_96 : memref<32x128xf32, #tpu.memory_space<vmem>>) target(%dma_start3A_102 : memref<6080x128xf32, #tpu.memory_space<hbm>>) offsets(%dma_start3A_99 : memref<32xi32, #tpu.memory_space<vmem>>) semaphore(%arg12 : memref<!tpu.dma_semaphore, #tpu.memory_space<semaphore_mem>>)
    %dma_wait3A_103 = arith.constant 0 : i32
    %dma_wait3A_104 = arith.constant 0 : i32
    %dma_wait3A_105 = arith.constant 0 : i32
    %dma_wait3A_106 = tpu.memref_slice %arg8[%dma_wait3A_104, %dma_wait3A_105] : memref<64x768xf32, #tpu.memory_space<vmem>> -> memref<32x768xf32, #tpu.memory_space<vmem>>
    %dma_wait3A_107 = arith.constant 0 : i32
    %dma_wait3A_108 = tpu.memref_slice %arg7[%dma_wait3A_103, %dma_wait3A_107] : memref<2x32xi32, #tpu.memory_space<vmem>> -> memref<1x32xi32, #tpu.memory_space<vmem>>
    %dma_wait3A_109 = tpu.memref_squeeze %dma_wait3A_108 : memref<1x32xi32, #tpu.memory_space<vmem>> -> memref<32xi32, #tpu.memory_space<vmem>>
    %dma_wait3A_110 = arith.constant 0 : i32
    %dma_wait3A_111 = arith.constant 0 : i32
    %dma_wait3A_112 = tpu.memref_slice %arg5[%dma_wait3A_110, %dma_wait3A_111] : memref<6080x768xf32, #tpu.memory_space<hbm>> -> memref<6080x768xf32, #tpu.memory_space<hbm>>
    tpu.wait_indirect_dma semaphore(%arg12 : memref<!tpu.dma_semaphore, #tpu.memory_space<semaphore_mem>>) src(%dma_wait3A_106 : memref<32x768xf32, #tpu.memory_space<vmem>>) dst(%dma_wait3A_112 : memref<6080x768xf32, #tpu.memory_space<hbm>>)
    %dma_wait3A_113 = arith.constant 1 : i32
    %dma_wait3A_114 = arith.constant 32 : i32
    %dma_wait3A_115 = arith.constant 0 : i32
    %dma_wait3A_116 = tpu.memref_slice %arg8[%dma_wait3A_114, %dma_wait3A_115] : memref<64x768xf32, #tpu.memory_space<vmem>> -> memref<32x768xf32, #tpu.memory_space<vmem>>
    %dma_wait3A_117 = arith.constant 0 : i32
    %dma_wait3A_118 = tpu.memref_slice %arg7[%dma_wait3A_113, %dma_wait3A_117] : memref<2x32xi32, #tpu.memory_space<vmem>> -> memref<1x32xi32, #tpu.memory_space<vmem>>
    %dma_wait3A_119 = tpu.memref_squeeze %dma_wait3A_118 : memref<1x32xi32, #tpu.memory_space<vmem>> -> memref<32xi32, #tpu.memory_space<vmem>>
    %dma_wait3A_120 = arith.constant 0 : i32
    %dma_wait3A_121 = arith.constant 0 : i32
    %dma_wait3A_122 = tpu.memref_slice %arg5[%dma_wait3A_120, %dma_wait3A_121] : memref<6080x768xf32, #tpu.memory_space<hbm>> -> memref<6080x768xf32, #tpu.memory_space<hbm>>
    tpu.wait_indirect_dma semaphore(%arg12 : memref<!tpu.dma_semaphore, #tpu.memory_space<semaphore_mem>>) src(%dma_wait3A_116 : memref<32x768xf32, #tpu.memory_space<vmem>>) dst(%dma_wait3A_122 : memref<6080x768xf32, #tpu.memory_space<hbm>>)
    %dma_wait3A_123 = arith.constant 0 : i32
    %dma_wait3A_124 = arith.constant 0 : i32
    %dma_wait3A_125 = arith.constant 0 : i32
    %dma_wait3A_126 = tpu.memref_slice %arg9[%dma_wait3A_124, %dma_wait3A_125] : memref<64x128xf32, #tpu.memory_space<vmem>> -> memref<32x128xf32, #tpu.memory_space<vmem>>
    %dma_wait3A_127 = arith.constant 0 : i32
    %dma_wait3A_128 = tpu.memref_slice %arg7[%dma_wait3A_123, %dma_wait3A_127] : memref<2x32xi32, #tpu.memory_space<vmem>> -> memref<1x32xi32, #tpu.memory_space<vmem>>
    %dma_wait3A_129 = tpu.memref_squeeze %dma_wait3A_128 : memref<1x32xi32, #tpu.memory_space<vmem>> -> memref<32xi32, #tpu.memory_space<vmem>>
    %dma_wait3A_130 = arith.constant 0 : i32
    %dma_wait3A_131 = arith.constant 0 : i32
    %dma_wait3A_132 = tpu.memref_slice %arg6[%dma_wait3A_130, %dma_wait3A_131] : memref<6080x128xf32, #tpu.memory_space<hbm>> -> memref<6080x128xf32, #tpu.memory_space<hbm>>
    tpu.wait_indirect_dma semaphore(%arg12 : memref<!tpu.dma_semaphore, #tpu.memory_space<semaphore_mem>>) src(%dma_wait3A_126 : memref<32x128xf32, #tpu.memory_space<vmem>>) dst(%dma_wait3A_132 : memref<6080x128xf32, #tpu.memory_space<hbm>>)
    %dma_wait3A_133 = arith.constant 1 : i32
    %dma_wait3A_134 = arith.constant 32 : i32
    %dma_wait3A_135 = arith.constant 0 : i32
    %dma_wait3A_136 = tpu.memref_slice %arg9[%dma_wait3A_134, %dma_wait3A_135] : memref<64x128xf32, #tpu.memory_space<vmem>> -> memref<32x128xf32, #tpu.memory_space<vmem>>
    %dma_wait3A_137 = arith.constant 0 : i32
    %dma_wait3A_138 = tpu.memref_slice %arg7[%dma_wait3A_133, %dma_wait3A_137] : memref<2x32xi32, #tpu.memory_space<vmem>> -> memref<1x32xi32, #tpu.memory_space<vmem>>
    %dma_wait3A_139 = tpu.memref_squeeze %dma_wait3A_138 : memref<1x32xi32, #tpu.memory_space<vmem>> -> memref<32xi32, #tpu.memory_space<vmem>>
    %dma_wait3A_140 = arith.constant 0 : i32
    %dma_wait3A_141 = arith.constant 0 : i32
    %dma_wait3A_142 = tpu.memref_slice %arg6[%dma_wait3A_140, %dma_wait3A_141] : memref<6080x128xf32, #tpu.memory_space<hbm>> -> memref<6080x128xf32, #tpu.memory_space<hbm>>
    tpu.wait_indirect_dma semaphore(%arg12 : memref<!tpu.dma_semaphore, #tpu.memory_space<semaphore_mem>>) src(%dma_wait3A_136 : memref<32x128xf32, #tpu.memory_space<vmem>>) dst(%dma_wait3A_142 : memref<6080x128xf32, #tpu.memory_space<hbm>>)
    return
  }
}

module attributes {stable_mosaic.version = 14 : i64} {
  func.func @_router_body(%arg0: memref<2048x768xf32, #tpu.memory_space<vmem>>, %arg1: memref<64x768xf32, #tpu.memory_space<vmem>>, %arg2: memref<1x64xf32, #tpu.memory_space<vmem>>, %arg3: memref<2048x1xi32, #tpu.memory_space<vmem>>, %arg4: memref<2048x128xf32, #tpu.memory_space<vmem>>, %arg5: memref<128x1xi32, #tpu.memory_space<vmem>>, %arg6: memref<128x1xi32, #tpu.memory_space<vmem>>, %arg7: memref<128x1xi32, #tpu.memory_space<vmem>>, %arg8: memref<2048x64xf32, #tpu.memory_space<vmem>>, %arg9: memref<2048x64xf32, #tpu.memory_space<vmem>>) attributes {dimension_semantics = [], scalar_prefetch = 0 : i64, scratch_operands = 2 : i64, tpu.core_type = #tpu.core_type<tc>} {
    %get3A = arith.constant 0 : index
    %get3A_0 = arith.constant 0 : index
    %get3A_1 = vector.load %arg0[%get3A, %get3A_0] : memref<2048x768xf32, #tpu.memory_space<vmem>>, vector<2048x768xf32>
    %get3A_2 = arith.constant 0 : index
    %get3A_3 = arith.constant 0 : index
    %get3A_4 = vector.load %arg1[%get3A_2, %get3A_3] : memref<64x768xf32, #tpu.memory_space<vmem>>, vector<64x768xf32>
    %dot_general3A = arith.constant dense<0.000000e+00> : vector<2048x64xf32>
    %dot_general3A_5 = tpu.matmul %get3A_1, %get3A_4, %dot_general3A {dimension_numbers = #tpu.dot_dimension_numbers<[1], [1], [0], [0], [0, 0, 1, 0], [], []>, transpose_lhs_hint = false} : vector<2048x768xf32>, vector<64x768xf32>, vector<2048x64xf32> -> vector<2048x64xf32>
    %get3A_6 = arith.constant 0 : index
    %get3A_7 = arith.constant 0 : index
    %get3A_8 = vector.load %arg2[%get3A_6, %get3A_7] : memref<1x64xf32, #tpu.memory_space<vmem>>, vector<1x64xf32>
    %add3A = vector.broadcast %get3A_8 : vector<1x64xf32> to vector<2048x64xf32>
    %add3A_9 = arith.addf %dot_general3A_5, %add3A : vector<2048x64xf32>
    %reduce_max3A = arith.constant dense<0xFF800000> : vector<2048xf32>
    %reduce_max3A_10 = vector.multi_reduction <maximumf>, %add3A_9, %reduce_max3A [1] : vector<2048x64xf32> to vector<2048xf32>
    %broadcast_in_dim3A = vector.shape_cast %reduce_max3A_10 : vector<2048xf32> to vector<2048x1xf32>
    %sub3A = vector.broadcast %broadcast_in_dim3A : vector<2048x1xf32> to vector<2048x64xf32>
    %sub3A_11 = arith.subf %add3A_9, %sub3A : vector<2048x64xf32>
    %exp3A = math.exp %sub3A_11 : vector<2048x64xf32>
    %reduce_sum3A = arith.constant dense<0.000000e+00> : vector<2048xf32>
    %reduce_sum3A_12 = vector.multi_reduction <add>, %exp3A, %reduce_sum3A [1] : vector<2048x64xf32> to vector<2048xf32>
    %broadcast_in_dim3A_13 = vector.shape_cast %reduce_sum3A_12 : vector<2048xf32> to vector<2048x1xf32>
    %div3A = vector.broadcast %broadcast_in_dim3A_13 : vector<2048x1xf32> to vector<2048x64xf32>
    %div3A_14 = arith.divf %exp3A, %div3A : vector<2048x64xf32>
    %reduce_max3A_15 = arith.constant dense<0xFF800000> : vector<2048xf32>
    %reduce_max3A_16 = vector.multi_reduction <maximumf>, %div3A_14, %reduce_max3A_15 [1] : vector<2048x64xf32> to vector<2048xf32>
    %broadcast_in_dim3A_17 = vector.shape_cast %reduce_max3A_16 : vector<2048xf32> to vector<2048x1xf32>
    %iota3A = tpu.iota {dimensions = array<i32: 1>} : vector<2048x64xi32>
    %ge3A = vector.broadcast %broadcast_in_dim3A_17 : vector<2048x1xf32> to vector<2048x64xf32>
    %ge3A_18 = arith.cmpf oge, %div3A_14, %ge3A : vector<2048x64xf32>
    %jit3A = arith.constant 64 : i32
    %broadcast_in_dim3A_19 = vector.broadcast %jit3A : i32 to vector<2048x64xi32>
    %select_n3A = arith.select %ge3A_18, %iota3A, %broadcast_in_dim3A_19 : vector<2048x64xi1>, vector<2048x64xi32>
    %reduce_min3A = arith.constant dense<2147483647> : vector<2048xi32>
    %reduce_min3A_20 = vector.multi_reduction <minsi>, %select_n3A, %reduce_min3A [1] : vector<2048x64xi32> to vector<2048xi32>
    %broadcast_in_dim3A_21 = vector.shape_cast %reduce_min3A_20 : vector<2048xi32> to vector<2048x1xi32>
    %eq3A = vector.broadcast %broadcast_in_dim3A_21 : vector<2048x1xi32> to vector<2048x64xi32>
    %eq3A_22 = arith.cmpi eq, %iota3A, %eq3A : vector<2048x64xi32>
    %convert_element_type3A = arith.extui %eq3A_22 : vector<2048x64xi1> to vector<2048x64xi32>
    %convert_element_type3A_23 = arith.sitofp %convert_element_type3A : vector<2048x64xi32> to vector<2048x64xf32>
    %swap3A = arith.constant 0 : index
    %swap3A_24 = arith.constant 0 : index
    %swap3A_25 = vector.load %arg8[%swap3A, %swap3A_24] : memref<2048x64xf32, #tpu.memory_space<vmem>>, vector<2048x64xf32>
    tpu.vector_store %arg8[%swap3A, %swap3A_24], %convert_element_type3A_23 {strides = array<i32>} : memref<2048x64xf32, #tpu.memory_space<vmem>>, vector<2048x64xf32>,
    %iota3A_26 = tpu.iota {dimensions = array<i32: 1>} : vector<128x128xi32>
    %iota3A_27 = tpu.iota {dimensions = array<i32: 0>} : vector<128x128xi32>
    %le3A = arith.cmpi sle, %iota3A_26, %iota3A_27 : vector<128x128xi32>
    %convert_element_type3A_28 = arith.extui %le3A : vector<128x128xi1> to vector<128x128xi32>
    %convert_element_type3A_29 = arith.sitofp %convert_element_type3A_28 : vector<128x128xi32> to vector<128x128xf32>
    %broadcast_in_dim3A_30 = arith.constant 0.000000e+00 : f32
    %broadcast_in_dim3A_31 = vector.broadcast %broadcast_in_dim3A_30 : f32 to vector<1x64xf32>
    %scan3A = arith.constant 0 : i32
    %scan3A_32 = arith.constant 16 : i32
    %scan3A_33 = arith.addi %scan3A, %scan3A_32 : i32
    %scan3A_34 = arith.constant 1 : i32
    %scan3A_35 = scf.for %scan3A_104 = %scan3A to %scan3A_33 step %scan3A_34 iter_args(%scan3A_105 = %broadcast_in_dim3A_31) -> (vector<1x64xf32>)  : i32 {
      %mul3A_106 = arith.constant 128 : i32
      %mul3A_107 = arith.muli %scan3A_104, %mul3A_106 : i32
      %get3A_108 = arith.index_cast %mul3A_107 : i32 to index
      %get3A_109 = arith.constant 0 : index
      %get3A_110 = vector.load %arg8[%get3A_108, %get3A_109] : memref<2048x64xf32, #tpu.memory_space<vmem>>, vector<128x64xf32>
      %dot_general3A_111 = arith.constant dense<0.000000e+00> : vector<128x64xf32>
      %dot_general3A_112 = tpu.matmul %convert_element_type3A_29, %get3A_110, %dot_general3A_111 {dimension_numbers = #tpu.dot_dimension_numbers<[1], [0], [0], [1], [0, 0, 1, 1], [], []>, transpose_lhs_hint = false} : vector<128x128xf32>, vector<128x64xf32>, vector<128x64xf32> -> vector<128x64xf32>
      %add3A_113 = vector.broadcast %scan3A_105 : vector<1x64xf32> to vector<128x64xf32>
      %add3A_114 = arith.addf %dot_general3A_112, %add3A_113 : vector<128x64xf32>
      %mul3A_115 = arith.constant 128 : i32
      %mul3A_116 = arith.muli %scan3A_104, %mul3A_115 : i32
      %swap3A_117 = arith.index_cast %mul3A_116 : i32 to index
      %swap3A_118 = arith.constant 0 : index
      %swap3A_119 = vector.load %arg9[%swap3A_117, %swap3A_118] : memref<2048x64xf32, #tpu.memory_space<vmem>>, vector<128x64xf32>
      tpu.vector_store %arg9[%swap3A_117, %swap3A_118], %add3A_114 {strides = array<i32>} : memref<2048x64xf32, #tpu.memory_space<vmem>>, vector<128x64xf32>,
      %slice3A_120 = vector.extract_strided_slice %add3A_114 {offsets = [127, 0], sizes = [1, 64], strides = [1, 1]} : vector<128x64xf32> to vector<1x64xf32>
      scf.yield %slice3A_120 : vector<1x64xf32>
    }
    %scan3A_36 = arith.constant 16 : i32
    %get3A_37 = arith.constant 0 : index
    %get3A_38 = arith.constant 0 : index
    %get3A_39 = vector.load %arg9[%get3A_37, %get3A_38] : memref<2048x64xf32, #tpu.memory_space<vmem>>, vector<2048x64xf32>
    %mul3A = arith.mulf %convert_element_type3A_23, %get3A_39 : vector<2048x64xf32>
    %reduce_sum3A_40 = arith.constant dense<0.000000e+00> : vector<2048xf32>
    %reduce_sum3A_41 = vector.multi_reduction <add>, %mul3A, %reduce_sum3A_40 [1] : vector<2048x64xf32> to vector<2048xf32>
    %broadcast_in_dim3A_42 = vector.shape_cast %reduce_sum3A_41 : vector<2048xf32> to vector<2048x1xf32>
    %sub3A_43 = arith.constant 1.000000e+00 : f32
    %sub3A_44 = vector.broadcast %sub3A_43 : f32 to vector<2048x1xf32>
    %sub3A_45 = arith.subf %broadcast_in_dim3A_42, %sub3A_44 : vector<2048x1xf32>
    %convert_element_type3A_46 = arith.fptosi %scan3A_35 : vector<1x64xf32> to vector<1x64xi32>
    %add3A_47 = arith.constant 63 : i32
    %add3A_48 = vector.broadcast %add3A_47 : i32 to vector<1x64xi32>
    %add3A_49 = arith.addi %convert_element_type3A_46, %add3A_48 : vector<1x64xi32>
    %shift_right_logical3A = arith.constant 6 : i32
    %shift_right_logical3A_50 = vector.broadcast %shift_right_logical3A : i32 to vector<1x64xi32>
    %shift_right_logical3A_51 = arith.shrui %add3A_49, %shift_right_logical3A_50 : vector<1x64xi32>
    %iota3A_52 = tpu.iota {dimensions = array<i32: 0>} : vector<64x64xi32>
    %iota3A_53 = tpu.iota {dimensions = array<i32: 1>} : vector<64x64xi32>
    %le3A_54 = arith.cmpi sle, %iota3A_52, %iota3A_53 : vector<64x64xi32>
    %convert_element_type3A_55 = arith.extui %le3A_54 : vector<64x64xi1> to vector<64x64xi32>
    %convert_element_type3A_56 = arith.sitofp %convert_element_type3A_55 : vector<64x64xi32> to vector<64x64xf32>
    %convert_element_type3A_57 = arith.sitofp %shift_right_logical3A_51 : vector<1x64xi32> to vector<1x64xf32>
    %dot_general3A_58 = arith.constant dense<0.000000e+00> : vector<1x64xf32>
    %dot_general3A_59 = tpu.matmul %convert_element_type3A_57, %convert_element_type3A_56, %dot_general3A_58 {dimension_numbers = #tpu.dot_dimension_numbers<[1], [0], [0], [1], [0, 0, 1, 1], [], []>, transpose_lhs_hint = false} : vector<1x64xf32>, vector<64x64xf32>, vector<1x64xf32> -> vector<1x64xf32>
    %slice3A = vector.extract_strided_slice %dot_general3A_59 {offsets = [0, 63], sizes = [1, 1], strides = [1, 1]} : vector<1x64xf32> to vector<1x1xf32>
    %squeeze3A = vector.extract %slice3A[0, 0] : f32 from vector<1x1xf32>
    %convert_element_type3A_60 = arith.fptosi %squeeze3A : f32 to i32
    %convert_element_type3A_61 = arith.sitofp %shift_right_logical3A_51 : vector<1x64xi32> to vector<1x64xf32>
    %sub3A_62 = arith.subf %dot_general3A_59, %convert_element_type3A_61 : vector<1x64xf32>
    %mul3A_63 = arith.constant 6.400000e+01 : f32
    %mul3A_64 = vector.broadcast %mul3A_63 : f32 to vector<1x64xf32>
    %mul3A_65 = arith.mulf %sub3A_62, %mul3A_64 : vector<1x64xf32>
    %mul3A_66 = vector.broadcast %mul3A_65 : vector<1x64xf32> to vector<2048x64xf32>
    %mul3A_67 = arith.mulf %convert_element_type3A_23, %mul3A_66 : vector<2048x64xf32>
    %reduce_sum3A_68 = arith.constant dense<0.000000e+00> : vector<2048xf32>
    %reduce_sum3A_69 = vector.multi_reduction <add>, %mul3A_67, %reduce_sum3A_68 [1] : vector<2048x64xf32> to vector<2048xf32>
    %broadcast_in_dim3A_70 = vector.shape_cast %reduce_sum3A_69 : vector<2048xf32> to vector<2048x1xf32>
    %add3A_71 = arith.addf %broadcast_in_dim3A_70, %sub3A_45 : vector<2048x1xf32>
    %convert_element_type3A_72 = arith.fptosi %add3A_71 : vector<2048x1xf32> to vector<2048x1xi32>
    %swap3A_73 = arith.constant 0 : index
    %swap3A_74 = arith.constant 0 : index
    %swap3A_75 = vector.load %arg3[%swap3A_73, %swap3A_74] : memref<2048x1xi32, #tpu.memory_space<vmem>>, vector<2048x1xi32>
    tpu.vector_store %arg3[%swap3A_73, %swap3A_74], %convert_element_type3A_72 {strides = array<i32>} : memref<2048x1xi32, #tpu.memory_space<vmem>>, vector<2048x1xi32>,
    %broadcast_in_dim3A_76 = vector.shape_cast %broadcast_in_dim3A_17 : vector<2048x1xf32> to vector<2048x1xf32>
    %broadcast_in_dim3A_77 = vector.broadcast %broadcast_in_dim3A_76 : vector<2048x1xf32> to vector<2048x128xf32>
    %swap3A_78 = arith.constant 0 : index
    %swap3A_79 = arith.constant 0 : index
    %swap3A_80 = vector.load %arg4[%swap3A_78, %swap3A_79] : memref<2048x128xf32, #tpu.memory_space<vmem>>, vector<2048x128xf32>
    tpu.vector_store %arg4[%swap3A_78, %swap3A_79], %broadcast_in_dim3A_77 {strides = array<i32>} : memref<2048x128xf32, #tpu.memory_space<vmem>>, vector<2048x128xf32>,
    %iota3A_81 = tpu.iota {dimensions = array<i32: 0>} : vector<128x1xi32>
    %sub3A_82 = arith.constant 1 : i32
    %sub3A_83 = arith.subi %convert_element_type3A_60, %sub3A_82 : i32
    %min3A = vector.broadcast %sub3A_83 : i32 to vector<128x1xi32>
    %min3A_84 = arith.minsi %iota3A_81, %min3A : vector<128x1xi32>
    %swap3A_85 = arith.constant 0 : index
    %swap3A_86 = arith.constant 0 : index
    %swap3A_87 = vector.load %arg6[%swap3A_85, %swap3A_86] : memref<128x1xi32, #tpu.memory_space<vmem>>, vector<128x1xi32>
    tpu.vector_store %arg6[%swap3A_85, %swap3A_86], %min3A_84 {strides = array<i32>} : memref<128x1xi32, #tpu.memory_space<vmem>>, vector<128x1xi32>,
    %lt3A = vector.broadcast %convert_element_type3A_60 : i32 to vector<128x1xi32>
    %lt3A_88 = arith.cmpi slt, %iota3A_81, %lt3A : vector<128x1xi32>
    %convert_element_type3A_89 = arith.extui %lt3A_88 : vector<128x1xi1> to vector<128x1xi32>
    %swap3A_90 = arith.constant 0 : index
    %swap3A_91 = arith.constant 0 : index
    %swap3A_92 = vector.load %arg7[%swap3A_90, %swap3A_91] : memref<128x1xi32, #tpu.memory_space<vmem>>, vector<128x1xi32>
    tpu.vector_store %arg7[%swap3A_90, %swap3A_91], %convert_element_type3A_89 {strides = array<i32>} : memref<128x1xi32, #tpu.memory_space<vmem>>, vector<128x1xi32>,
    %convert_element_type3A_93 = arith.sitofp %min3A_84 : vector<128x1xi32> to vector<128x1xf32>
    %le3A_94 = vector.broadcast %dot_general3A_59 : vector<1x64xf32> to vector<128x64xf32>
    %le3A_95 = vector.broadcast %convert_element_type3A_93 : vector<128x1xf32> to vector<128x64xf32>
    %le3A_96 = arith.cmpf ole, %le3A_94, %le3A_95 : vector<128x64xf32>
    %convert_element_type3A_97 = arith.extui %le3A_96 : vector<128x64xi1> to vector<128x64xi32>
    %reduce_sum3A_98 = arith.constant dense<0> : vector<128xi32>
    %reduce_sum3A_99 = vector.multi_reduction <add>, %convert_element_type3A_97, %reduce_sum3A_98 [1] : vector<128x64xi32> to vector<128xi32>
    %broadcast_in_dim3A_100 = vector.shape_cast %reduce_sum3A_99 : vector<128xi32> to vector<128x1xi32>
    %swap3A_101 = arith.constant 0 : index
    %swap3A_102 = arith.constant 0 : index
    %swap3A_103 = vector.load %arg5[%swap3A_101, %swap3A_102] : memref<128x1xi32, #tpu.memory_space<vmem>>, vector<128x1xi32>
    tpu.vector_store %arg5[%swap3A_101, %swap3A_102], %broadcast_in_dim3A_100 {strides = array<i32>} : memref<128x1xi32, #tpu.memory_space<vmem>>, vector<128x1xi32>,
    return
  }
}

module attributes {stable_mosaic.version = 14 : i64} {
  func.func @_gmm_body(%arg0: i32, %arg1: memref<128xi32, #tpu.memory_space<smem>>, %arg2: memref<128xi32, #tpu.memory_space<smem>>, %arg3: memref<128xi32, #tpu.memory_space<smem>>, %arg4: memref<64x768xf32, #tpu.memory_space<vmem>>, %arg5: memref<64x128xf32, #tpu.memory_space<vmem>>, %arg6: memref<1x1536x768xf32, #tpu.memory_space<vmem>>, %arg7: memref<1x1x1536xf32, #tpu.memory_space<vmem>>, %arg8: memref<1x768x1536xf32, #tpu.memory_space<vmem>>, %arg9: memref<1x1x768xf32, #tpu.memory_space<vmem>>, %arg10: memref<64x768xf32, #tpu.memory_space<vmem>>) attributes {dimension_semantics = [#tpu.dimension_semantics<arbitrary>], iteration_bounds = array<i64: 95>, scalar_prefetch = 3 : i64, scratch_operands = 0 : i64, tpu.core_type = #tpu.core_type<tc>, window_params = [{transform_indices = @transform_0, window_bounds = array<i64: 64, 768>}, {transform_indices = @transform_1, window_bounds = array<i64: 64, 128>}, {transform_indices = @transform_2, window_bounds = array<i64: 1, 1536, 768>}, {transform_indices = @transform_3, window_bounds = array<i64: 1, 1, 1536>}, {transform_indices = @transform_4, window_bounds = array<i64: 1, 768, 1536>}, {transform_indices = @transform_5, window_bounds = array<i64: 1, 1, 768>}, {transform_indices = @transform_6, window_bounds = array<i64: 64, 768>}]} {
    %get3A = arith.index_cast %arg0 : i32 to index
    %get3A_0 = memref.load %arg3[%get3A] : memref<128xi32, #tpu.memory_space<smem>>
    %eq3A = arith.constant 1 : i32
    %eq3A_1 = arith.cmpi eq, %get3A_0, %eq3A : i32
    %convert_element_type3A = arith.extui %eq3A_1 : i1 to i32
    %cond3A = arith.constant 0 : i32
    %cond3A_2 = arith.cmpi ne, %convert_element_type3A, %cond3A : i32
    scf.if %cond3A_2 {
      %get3A_3 = arith.constant 0 : index
      %get3A_4 = arith.constant 0 : index
      %get3A_5 = vector.load %arg4[%get3A_3, %get3A_4] : memref<64x768xf32, #tpu.memory_space<vmem>>, vector<64x768xf32>
      %get3A_6 = arith.constant 0 : index
      %get3A_7 = arith.constant 0 : index
      %get3A_8 = arith.constant 0 : index
      %get3A_9 = vector.load %arg6[%get3A_6, %get3A_7, %get3A_8] : memref<1x1536x768xf32, #tpu.memory_space<vmem>>, vector<1x1536x768xf32>
      %get3A_10 = vector.shape_cast %get3A_9 : vector<1x1536x768xf32> to vector<1536x768xf32>
      %dot_general3A = arith.constant dense<0.000000e+00> : vector<64x1536xf32>
      %dot_general3A_11 = tpu.matmul %get3A_5, %get3A_10, %dot_general3A {dimension_numbers = #tpu.dot_dimension_numbers<[1], [1], [0], [0], [0, 0, 1, 0], [], []>, transpose_lhs_hint = false} : vector<64x768xf32>, vector<1536x768xf32>, vector<64x1536xf32> -> vector<64x1536xf32>
      %get3A_12 = arith.constant 0 : index
      %get3A_13 = arith.constant 0 : index
      %get3A_14 = arith.constant 0 : index
      %get3A_15 = vector.load %arg7[%get3A_12, %get3A_13, %get3A_14] : memref<1x1x1536xf32, #tpu.memory_space<vmem>>, vector<1x1x1536xf32>
      %get3A_16 = vector.shape_cast %get3A_15 : vector<1x1x1536xf32> to vector<1x1536xf32>
      %add3A = vector.broadcast %get3A_16 : vector<1x1536xf32> to vector<64x1536xf32>
      %add3A_17 = arith.addf %dot_general3A_11, %add3A : vector<64x1536xf32>
      %max3A = arith.constant 0.000000e+00 : f32
      %max3A_18 = vector.broadcast %max3A : f32 to vector<64x1536xf32>
      %max3A_19 = arith.maximumf %add3A_17, %max3A_18 : vector<64x1536xf32>
      %get3A_20 = arith.constant 0 : index
      %get3A_21 = arith.constant 0 : index
      %get3A_22 = arith.constant 0 : index
      %get3A_23 = vector.load %arg8[%get3A_20, %get3A_21, %get3A_22] : memref<1x768x1536xf32, #tpu.memory_space<vmem>>, vector<1x768x1536xf32>
      %get3A_24 = vector.shape_cast %get3A_23 : vector<1x768x1536xf32> to vector<768x1536xf32>
      %dot_general3A_25 = arith.constant dense<0.000000e+00> : vector<64x768xf32>
      %dot_general3A_26 = tpu.matmul %max3A_19, %get3A_24, %dot_general3A_25 {dimension_numbers = #tpu.dot_dimension_numbers<[1], [1], [0], [0], [0, 0, 1, 0], [], []>, transpose_lhs_hint = false} : vector<64x1536xf32>, vector<768x1536xf32>, vector<64x768xf32> -> vector<64x768xf32>
      %get3A_27 = arith.constant 0 : index
      %get3A_28 = arith.constant 0 : index
      %get3A_29 = arith.constant 0 : index
      %get3A_30 = vector.load %arg9[%get3A_27, %get3A_28, %get3A_29] : memref<1x1x768xf32, #tpu.memory_space<vmem>>, vector<1x1x768xf32>
      %get3A_31 = vector.shape_cast %get3A_30 : vector<1x1x768xf32> to vector<1x768xf32>
      %add3A_32 = vector.broadcast %get3A_31 : vector<1x768xf32> to vector<64x768xf32>
      %add3A_33 = arith.addf %dot_general3A_26, %add3A_32 : vector<64x768xf32>
      %get3A_34 = arith.constant 0 : index
      %get3A_35 = arith.constant 0 : index
      %get3A_36 = vector.load %arg5[%get3A_34, %get3A_35] : memref<64x128xf32, #tpu.memory_space<vmem>>, vector<64x1xf32>
      %mul3A = vector.broadcast %get3A_36 : vector<64x1xf32> to vector<64x768xf32>
      %mul3A_37 = arith.mulf %add3A_33, %mul3A : vector<64x768xf32>
      %swap3A = arith.constant 0 : index
      %swap3A_38 = arith.constant 0 : index
      %swap3A_39 = vector.load %arg10[%swap3A, %swap3A_38] : memref<64x768xf32, #tpu.memory_space<vmem>>, vector<64x768xf32>
      tpu.vector_store %arg10[%swap3A, %swap3A_38], %mul3A_37 {strides = array<i32>} : memref<64x768xf32, #tpu.memory_space<vmem>>, vector<64x768xf32>,
    } else {
    }
    return
  }
  func.func @transform_0(%arg0: i32, %arg1: memref<128xi32, #tpu.memory_space<smem>>, %arg2: memref<128xi32, #tpu.memory_space<smem>>, %arg3: memref<128xi32, #tpu.memory_space<smem>>) -> (i32, i32) {
    %get3A = arith.index_cast %arg0 : i32 to index
    %get3A_0 = memref.load %arg2[%get3A] : memref<128xi32, #tpu.memory_space<smem>>
    %c0_i32 = arith.constant 0 : i32
    %c0_i32_1 = arith.constant 0 : i32
    return %get3A_0, %c0_i32 : i32, i32
  }
  func.func @transform_1(%arg0: i32, %arg1: memref<128xi32, #tpu.memory_space<smem>>, %arg2: memref<128xi32, #tpu.memory_space<smem>>, %arg3: memref<128xi32, #tpu.memory_space<smem>>) -> (i32, i32) {
    %get3A = arith.index_cast %arg0 : i32 to index
    %get3A_0 = memref.load %arg2[%get3A] : memref<128xi32, #tpu.memory_space<smem>>
    %c0_i32 = arith.constant 0 : i32
    %c0_i32_1 = arith.constant 0 : i32
    return %get3A_0, %c0_i32 : i32, i32
  }
  func.func @transform_2(%arg0: i32, %arg1: memref<128xi32, #tpu.memory_space<smem>>, %arg2: memref<128xi32, #tpu.memory_space<smem>>, %arg3: memref<128xi32, #tpu.memory_space<smem>>) -> (i32, i32, i32) {
    %get3A = arith.index_cast %arg0 : i32 to index
    %get3A_0 = memref.load %arg1[%get3A] : memref<128xi32, #tpu.memory_space<smem>>
    %c0_i32 = arith.constant 0 : i32
    %c0_i32_1 = arith.constant 0 : i32
    %c0_i32_2 = arith.constant 0 : i32
    return %get3A_0, %c0_i32, %c0_i32_1 : i32, i32, i32
  }
  func.func @transform_3(%arg0: i32, %arg1: memref<128xi32, #tpu.memory_space<smem>>, %arg2: memref<128xi32, #tpu.memory_space<smem>>, %arg3: memref<128xi32, #tpu.memory_space<smem>>) -> (i32, i32, i32) {
    %get3A = arith.index_cast %arg0 : i32 to index
    %get3A_0 = memref.load %arg1[%get3A] : memref<128xi32, #tpu.memory_space<smem>>
    %c0_i32 = arith.constant 0 : i32
    %c0_i32_1 = arith.constant 0 : i32
    %c0_i32_2 = arith.constant 0 : i32
    return %get3A_0, %c0_i32, %c0_i32_1 : i32, i32, i32
  }
  func.func @transform_4(%arg0: i32, %arg1: memref<128xi32, #tpu.memory_space<smem>>, %arg2: memref<128xi32, #tpu.memory_space<smem>>, %arg3: memref<128xi32, #tpu.memory_space<smem>>) -> (i32, i32, i32) {
    %get3A = arith.index_cast %arg0 : i32 to index
    %get3A_0 = memref.load %arg1[%get3A] : memref<128xi32, #tpu.memory_space<smem>>
    %c0_i32 = arith.constant 0 : i32
    %c0_i32_1 = arith.constant 0 : i32
    %c0_i32_2 = arith.constant 0 : i32
    return %get3A_0, %c0_i32, %c0_i32_1 : i32, i32, i32
  }
  func.func @transform_5(%arg0: i32, %arg1: memref<128xi32, #tpu.memory_space<smem>>, %arg2: memref<128xi32, #tpu.memory_space<smem>>, %arg3: memref<128xi32, #tpu.memory_space<smem>>) -> (i32, i32, i32) {
    %get3A = arith.index_cast %arg0 : i32 to index
    %get3A_0 = memref.load %arg1[%get3A] : memref<128xi32, #tpu.memory_space<smem>>
    %c0_i32 = arith.constant 0 : i32
    %c0_i32_1 = arith.constant 0 : i32
    %c0_i32_2 = arith.constant 0 : i32
    return %get3A_0, %c0_i32, %c0_i32_1 : i32, i32, i32
  }
  func.func @transform_6(%arg0: i32, %arg1: memref<128xi32, #tpu.memory_space<smem>>, %arg2: memref<128xi32, #tpu.memory_space<smem>>, %arg3: memref<128xi32, #tpu.memory_space<smem>>) -> (i32, i32) {
    %get3A = arith.index_cast %arg0 : i32 to index
    %get3A_0 = memref.load %arg2[%get3A] : memref<128xi32, #tpu.memory_space<smem>>
    %c0_i32 = arith.constant 0 : i32
    %c0_i32_1 = arith.constant 0 : i32
    return %get3A_0, %c0_i32 : i32, i32
  }
}

</mosaic_0001>

<sc_bundles>
// kernel: kernel.6.cloned.1.call-start
scs
__scs_entry_jumppad:
0x0: {  	(pc) =	sbr.rel $0x88, $3  }
0x1: {  	(tag) =	ssettag $0x0;
	lr =	simm.s32 $0x1  }
0x2: {  	[smem:$0x3F9A] =	sst lr;
	_ =	strace $0xD0000000  }
0x3: {  	_ = 	snop  }
0x4: {  	_ = 	snop  }
0x5: {  	_ = 	snop  }
0x6: {  	_ = 	snop  }
0x7: {  	_ = 	snop  }
__scs_overlays_trampoline_lowered:
0x8: {  	[smem:$0x3FA9] =	sst s0  }
0x9: {  	[smem:$0x3FAA] =	sst s1  }
0xa: {  	[smem:$0x3FAB] =	sst s2  }
0xb: {  	[smem:$0x3FAC] =	sst s3  }
0xc: {  	[smem:$0x3FAD] =	sst s4  }
0xd: {  	[smem:$0x3FAE] =	sst s5  }
0xe: {  	[smem:$0x3FAF] =	sst s6  }
0xf: {  	[smem:$0x3FB0] =	sst s7  }
0x10: {  	[smem:$0x3FB1] =	sst s8  }
0x11: {  	[smem:$0x3FB2] =	sst s9;
	s0 =	simm.s32 @!p0 $0x0  }
0x12: {  	s1 =	sld [smem:$0x3F98];
	s0 =	simm.s32 @p0 $0x1  }
0x13: {  	[smem:$0x3FB3] =	sst s0;
	s0 =	simm.s32 @!p1 $0x0  }
0x14: {  	s2 =	sld [smem:$0x3F97];
	s0 =	simm.s32 @p1 $0x1  }
0x15: {  	[smem:$0x3FB4] =	sst s0;
	s0 =	simm.s32 @!p2 $0x0  }
0x16: {  	s3 =	sld [smem:$0x3FDB];
	s0 =	simm.s32 @p2 $0x1  }
0x17: {  	s4 =	simm.s32 $0x1BF5;
	[smem:$0x3FB6] =	sst s0  }
0x18: {  	s0 =	sld [smem:$0x3F99];
	_ =	swait.ge [sflag:s4], $0x0  }
0x19: {  	s7 =	sld [smem:$0x3F9A]  }
0x1a: {  	s8 =	sadd.s32 $0xFFFFE003, lr  }
0x1b: {  	s9 =	sadd.s32 $0xFFFFFEF7, lr;
	s5 =	simm.s32 $0xFFFFFFFF;
	p2 =	slt.u32 s8, $0xFFFFF086  }
0x1c: {  	p1 =	slt.u32 s9, $0xF7A;
	s5 =	simm.s32 @!p2 $0x0  }
0x1d: {  	s5 =	simm.s32 @p1 $0x1;
	p0 =	seq.s32 s7, s2  }
0x1e: {  	s7 =	smul.u32 @!p0 $0xF7A, s2;
	p2 =	seq.s32 @!p0 s5, $0x0  }
0x1f: {  	s9 =	smul.u32 $0xF7A, s1;
	s8 =	simm.s32 @!p0 $0x1BF5;
	p2 =	por !p2, p0  }
0x20: {  	[sflag:s8] =	ssyncset.s32 @!p0 $0xFFFFF086;
	s6 =	sadd.s32 @!p0 s3, s7;
	s7 =	simm.s32 @!p0 $0x108  }
0x21: {  	s3 =	sadd.s32 s3, s9;
	s6 =	sadd.s32 @!p0 $0x88, s6;
	s7 =	simm.s32 @p2 $0x1082  }
0x22: {  	[simem:s7], [sflag:s8] =	dma.local @!p0 [hbm:s6], $0xF7A  }
0x23: {  	s9 =	sor.u32 $0xD0000000, s2;
	s6 =	simm.s32 $0x108;
	_ =	swait.ge @!p0 [sflag:s8], $0x0  }
0x24: {  	s3 =	sadd.s32 $0x88, s3;
	s6 =	simm.s32 @!p1 $0x1082;
	[sflag:s4] =	ssyncset.s32 $0xFFFFF086  }
0x25: {  	[simem:s6], [sflag:s4] =	dma.local [hbm:s3], $0xF7A  }
0x26: {  	[smem:$0x3F9A] =	sst s1;
	(tag) =	ssettag s2;
	_ =	strace s9  }
0x27: {  	s1 =	sld [smem:$0x3FAA]  }
0x28: {  	s2 =	sld [smem:$0x3FAB]  }
0x29: {  	s4 =	sld [smem:$0x3FAD]  }
0x2a: {  	p0 =	seq.s32 s5, $0x0;
	s5 =	sld [smem:$0x3FAE]  }
0x2b: {  	s6 =	sld [smem:$0x3FAF]  }
0x2c: {  	s7 =	sld [smem:$0x3FB0]  }
0x2d: {  	s3 =	simm.s32 $0x108;
	s8 =	sld [smem:$0x3FB1]  }
0x2e: {  	s3 =	simm.s32 @!p0 $0x1082;
	s9 =	sld [smem:$0x3FB2]  }
0x2f: {  	lr =	sadd.s32 s0, s3;
	s0 =	sld [smem:$0x3FA9]  }
0x30: {  	s3 =	sld [smem:$0x3FAC]  }
0x31: {  	[smem:$0x3FB5] =	sst s10  }
0x32: {  	s10 =	sld [smem:$0x3FB3];
	_ =	sdelay $0x3  }
0x33: {  	p0 =	seq.s32 s10, $0x1;
	s10 =	sld [smem:$0x3FB5];
	_ =	sdelay $0x3  }
0x34: {  	[smem:$0x3FB5] =	sst s10  }
0x35: {  	s10 =	sld [smem:$0x3FB4];
	_ =	sdelay $0x3  }
0x36: {  	p1 =	seq.s32 s10, $0x1;
	s10 =	sld [smem:$0x3FB5];
	_ =	sdelay $0x3  }
0x37: {  	[smem:$0x3FB5] =	sst s10  }
0x38: {  	s10 =	sld [smem:$0x3FB6]  }
0x39: {  	_ = 	snop;
	(pc) =	sbr.ind lr, $3  }
0x3a: {  	_ = 	snop  }
0x3b: {  	_ = 	snop  }
0x3c: {  	p2 =	seq.s32 s10, $0x1;
	s10 =	sld [smem:$0x3FB5]  }
0x3d: {  	_ =	shalt  }
0x3e: {  	_ =	shalt  }
0x3f: {  	_ =	shalt  }
0x40: {  	_ =	shalt  }
0x41: {  	_ =	shalt  }
0x42: {  	_ =	shalt  }
0x43: {  	_ =	shalt  }
0x44: {  	_ =	shalt  }
0x45: {  	_ =	shalt  }
0x46: {  	_ =	shalt  }
0x47: {  	_ =	shalt  }
0x48: {  	_ =	shalt  }
0x49: {  	_ =	shalt  }
0x4a: {  	_ =	shalt  }
0x4b: {  	_ =	shalt  }
0x4c: {  	_ =	shalt  }
0x4d: {  	_ =	shalt  }
0x4e: {  	_ =	shalt  }
0x4f: {  	_ =	shalt  }
0x50: {  	_ =	shalt  }
0x51: {  	_ =	shalt  }
0x52: {  	_ =	shalt  }
0x53: {  	_ =	shalt  }
0x54: {  	_ =	shalt  }
0x55: {  	_ =	shalt  }
0x56: {  	_ =	shalt  }
0x57: {  	_ =	shalt  }
0x58: {  	_ =	shalt  }
0x59: {  	_ =	shalt  }
0x5a: {  	_ =	shalt  }
0x5b: {  	_ =	shalt  }
0x5c: {  	_ =	shalt  }
0x5d: {  	_ =	shalt  }
0x5e: {  	_ =	shalt  }
0x5f: {  	_ =	shalt  }
0x60: {  	_ =	shalt  }
0x61: {  	_ =	shalt  }
0x62: {  	_ =	shalt  }
0x63: {  	_ =	shalt  }
0x64: {  	_ =	shalt  }
0x65: {  	_ =	shalt  }
0x66: {  	_ =	shalt  }
0x67: {  	_ =	shalt  }
0x68: {  	_ =	shalt  }
0x69: {  	_ =	shalt  }
0x6a: {  	_ =	shalt  }
0x6b: {  	_ =	shalt  }
0x6c: {  	_ =	shalt  }
0x6d: {  	_ =	shalt  }
0x6e: {  	_ =	shalt  }
0x6f: {  	_ =	shalt  }
0x70: {  	_ =	shalt  }
0x71: {  	_ =	shalt  }
0x72: {  	_ =	shalt  }
0x73: {  	_ =	shalt  }
0x74: {  	_ =	shalt  }
0x75: {  	_ =	shalt  }
0x76: {  	_ =	shalt  }
0x77: {  	_ =	shalt  }
0x78: {  	_ =	shalt  }
0x79: {  	_ =	shalt  }
0x7a: {  	_ =	shalt  }
0x7b: {  	_ =	shalt  }
0x7c: {  	_ =	shalt  }
0x7d: {  	_ =	shalt  }
0x7e: {  	_ =	shalt  }
0x7f: {  	_ =	shalt  }
0x80: {  	_ =	shalt  }
0x81: {  	_ =	shalt  }
0x82: {  	_ =	shalt  }
0x83: {  	_ =	shalt  }
0x84: {  	_ =	shalt  }
0x85: {  	_ =	shalt  }
0x86: {  	_ =	shalt  }
0x87: {  	_ =	shalt  }
.Lfunc_end0:
.L_simem_size_0:
called_computation_lowered:
.L_overlay_start_0:
0x88: {  	s2 =	sld [smem:$0x3FD9]  }
0x89: {  	s3 =	sld [smem:$0x3FFE];
	_ =	sdelay $0x1  }
0x8a: {  	s1 =	srdreg.scid  }
0x8b: {  	s0 =	sand.u32 $0x1, s1  }
0x8c: {  	s17 =	sshll.u32 s0, $0xA;
	s2 =	sadd.s32 s3, s2  }
0x8d: {  	s2 =	sadd.s32 s2, s17  }
0x8e: {  	[smem:$0x3FC1] =	sst s2  }
0x8f: {  	_ = 	snop  }
0x90: {  	s2 =	sld [smem:$0x3FC9]  }
0x91: {  	s18 =	sld [smem:$0x3FD0];
	(tm) =	ssettm $0x1  }
0x92: {  	s4 =	sld [smem:$0x3FFB];
	_ =	sdelay $0x3  }
0x93: {  	_ =	strace s4  }
0x94: {  	s4 =	sld [smem:$0x3FFC];
	_ =	sdelay $0x3  }
0x95: {  	_ =	strace s4  }
0x96: {  	s4 =	sld [smem:$0x3FFD];
	_ =	sdelay $0x3  }
0x97: {  	_ =	strace s4  }
0x98: {  	_ =	strace $0x8FFFFFFF  }
0x99: {  	s19 =	sld [smem:$0x3FDB];
	_ =	sdelay $0x1  }
0x9a: {  	s5 =	simm.s32 $_scs_section_size  }
0x9b: {  	s6 =	simm.s32 $_size__tile_overlayer_lowered;
	s7 =	simm.s32 $_tile_overlayer_lowered  }
0x9c: {  	s22 =	simm.s32 $0x1BFF;
	s21 =	sshll.u32 s7, $0x1;
	s4 =	sadd.s32 s5, s19  }
0x9d: {  	s8 =	simm.s32 $0x0;
	s20 =	sshll.u32 s6, $0x1;
	s6 =	sadd.s32 s21, s4  }
0x9e: {  	[timem:s8], [sflag:s22] =	dma.local [hbm:s6], s20  }
0x9f: {  	_ =	swait.ge [sflag:s22], s20  }
0xa0: {  	s5 =	ssub.s32 $0x0, s20;
	[sflag:s22] =	ssyncset.done $0x0  }
0xa1: {  	[sflag:s22] =	ssyncadd.s32 s5;
	_ =	sdelay $0x1  }
0xa2: {  	s23 =	simm.s32 $0x1B8B  }
0xa3: {  	_ =	swait.ge [sflag:s23], $0x1  }
0xa4: {  	[sflag:s23] =	ssyncset.done $0x0  }
0xa5: {  	s25 =	simm.s32 $0x1B8E;
	s24 =	sld [smem:$0x3FFE];
	[sflag:s23] =	ssyncadd.s32 $0xFFFFFFFF  }
0xa6: {  	s26 =	simm.s32 $execute0_lowered;
	[smem:$0x3FD2] =	sst s25  }
0xa7: {  	s6 =	sshll.u32 s26, $0x1;
	_ =	strace $0x80000046;
	[dreg:$0x1] =	wrdreg $0xFFFFFFFF  }
0xa8: {  	s28 =	simm.s32 $_size_execute0_lowered;
	s4 =	sadd.s32 s4, s6;
	[dreg:$0x0] =	wrdreg $0x0  }
0xa9: {  	s6 =	sshll.u32 s28, $0x1;
	[dreg:$0x2] =	wrdreg s4  }
0xaa: {  	[dreg:$0x3] =	wrdreg s6  }
0xab: {  	[dreg:$0x4] =	wrdreg $0xC0  }
0xac: {  	_ =	task [dreg:s8], $0x5FFFF  }
0xad: {  	[dreg:$0x1] =	wrdreg $0xFFFFFFFF  }
0xae: {  	[dreg:$0x0] =	wrdreg $0x60  }
0xaf: {  	[dreg:$0x2] =	wrdreg s2  }
0xb0: {  	[dreg:$0x3] =	wrdreg s24  }
0xb1: {  	[dreg:$0x4] =	wrdreg s18  }
0xb2: {  	[dreg:$0x5] =	wrdreg $0x9  }
0xb3: {  	_ =	task.clear_ibuf [dreg:s8], $0x6FFFF;
	_ =	strace $0x90000046  }
0xb4: {  	s29 =	simm.s32 $0x9;
	_ =	strace $0x80000048  }
0xb5: {  	_ =	swait.ge [sflag:s29], $0x1  }
0xb6: {  	[sflag:s29] =	ssyncadd.s32 $0xFFFFFFFF  }
0xb7: {  	_ =	strace $0x90000048  }
0xb8: {  	_ =	sfence  }
0xb9: {  	s30 =	sld [smem:$0x0];
	_ =	sdelay $0x2  }
0xba: {  	s31 =	sshll.u32 s1, $0xD;
	s1 =	sshrl.u32 s1, $0x2  }
0xbb: {  	s3 =	sand.u32 $0x4000, s31;
	s1 =	sadd.s32 s1, s30  }
0xbc: {  	s0 =	sor.u32 s3, s0;
	s1 =	sshll.u32 s1, $0x11  }
0xbd: {  	s0 =	sor.u32 s1, s0  }
0xbe: {  	s0 =	sadd.s32 $0x8F2B, s0  }
0xbf: {  	[sflag:s0] =	ssyncadd.remote.s32 $0x1  }
0xc0: {  	_ =	sfence.sel $0xFFFF  }
0xc1: {  	[dreg:$0x0] =	wrdreg $0xFFFFFFFF;
	(pc) =	sbr.abs _section_cstart, $3  }
0xc2: {  	[dreg:$0x1] =	wrdreg $0xFFFFFFFF  }
0xc3: {  	_ =	task.clear_ibuf [dreg:s8], $0x2FFFF;
	_ =	strace $0x9FFFFFFF  }
0xc4: {  	(tm) =	ssettm $0x7FFFFFFF  }
0xc5: {  	_ =	shalt  }
tec
execute0_lowered:
.L_overlay_start_1:
0x0: {  	(tag) =	ssettag $0x1  }
0x1: {  	s0 =	rddreg [dreg:$0x0]  }
0x2: {  	s6 =	rddreg [dreg:$0x1]  }
0x3: {  	s2 =	rddreg [dreg:$0x2]  }
0x4: {  	s4 =	srdreg.scid;
	s1 =	stileid.u32;
	s3 =	simm.s32 $0x0  }
0x5: {  	s18 =	simm.s32 $0x900;
	s19 =	simm.s32 $0x1100;
	s20 =	simm.s32 $0x1900  }
0x6: {  	s21 =	simm.s32 $0x2100;
	s22 =	simm.s32 $0x2900;
	[smem:$0x7FF] =	sst s3  }
0x7: {  	s23 =	simm.s32 $0x3100;
	_ =	strace $0x80000047;
	[dreg:$0x8] =	wrdreg s18  }
0x8: {  	s24 =	simm.s32 $0x3900;
	s25 =	simm.s32 $0x4100;
	[dreg:$0x9] =	wrdreg s19  }
0x9: {  	s11 =	simm.s32 $0x1;
	s26 =	simm.s32 $0x4900;
	[dreg:$0xa] =	wrdreg s20  }
0xa: {  	s12 =	simm.s32 $0x4;
	s14 =	simm.s32 $0x5900;
	[dreg:$0xb] =	wrdreg s21  }
0xb: {  	s28 =	simm.s32 $0x2;
	s29 =	simm.s32 $0x20;
	[dreg:$0xc] =	wrdreg s22  }
0xc: {  	s30 =	simm.s32 $0x80;
	s31 =	simm.s32 $0xD100;
	[dreg:$0xd] =	wrdreg s23  }
0xd: {  	s5 =	sand.u32 $0x1, s4;
	s15 =	sshll.u32 s1, $0x1;
	[dreg:$0xe] =	wrdreg s24  }
0xe: {  	s7 =	sor.u32 s5, s15;
	s5 =	ssub.s32 $0x2, s5;
	[dreg:$0xf] =	wrdreg s25  }
0xf: {  	[dreg:$0x10] =	wrdreg s26;
	s15 =	simm.s32 $0x5;
	s18 =	simm.s32 $0x7900  }
0x10: {  	s19 =	simm.s32 $0x8100;
	s20 =	simm.s32 $0x8900;
	s21 =	simm.s32 $0x9100  }
0x11: {  	s22 =	simm.s32 $0x9900;
	s23 =	simm.s32 $0xA100;
	s24 =	simm.s32 $0xA900  }
0x12: {  	s25 =	simm.s32 $0xB100;
	s26 =	simm.s32 $0xB900;
	s10 =	smul.u32 $0xC000, s7  }
0x13: {  	s4 =	sshll.u32 s7, $0x5;
	s8 =	sshll.u32 s7, $0xA;
	s7 =	smul.u32 $0x1800, s7  }
0x14: {  	s17 =	sshrl.u32 s5, $0x1;
	s9 =	sadd.s32 s4, s6;
	s8 =	sadd.s32 s8, s6  }
0x15: {  	s4 =	sadd.s32 $0x8C00, s6;
	s9 =	sadd.s32 $0x8800, s9;
	s8 =	sadd.s32 $0x800, s8  }
0x16: {  	s16 =	sshrl.u32 s10, $0x3;
	s7 =	sadd.s32 s0, s7;
	[dreg:$0x4] =	wrdreg s9  }
0x17: {  	s10 =	simm.s32 $0x6100;
	[dreg:$0x5] =	wrdreg s8;
	s0 =	sadd.s32 s0, s16  }
0x18: {  	[dreg:$0x6] =	wrdreg s7;
	s7 =	ssub.s32 s5, s17;
	s5 =	sadd.s32 $0x8D00, s6  }
0x19: {  	v2 =	vlaneseq.u32;
	s6 =	sadd.s32 $0x8E00, s6;
	s8 =	simm.s32 $0xC100;
	s9 =	simm.s32 $0x100  }
0x1a: {  	vm0 =	vmmov $0xffff;
	v1 =	vshrl.u32 v2, $0x3;
	s16 =	simm.s32 $0x6900;
	s17 =	simm.s32 $0x7100;
	s0 =	sadd.s32 $0xC00, s0  }
0x1b: {  	v0 =	vand.u32 $0x7, v2;
	v2 =	vor.u32 $0x8, v2;
	v1 =	vmul.u32 $0x8, v1;
	s7 =	smax.u32 s7, $0x1;
	[dreg:$0x7] =	wrdreg s0;
	s0 =	simm.s32 $0x3  }
.LBB2_1:
0x1c: {  	s1 =	rddreg [dreg:$0x4]  }
0x1d: {  	[tilespmem:s3], [sflag:$0x1] =	stream.linear.gather [hbm4b:s1+s3], $0x100, $0x38;
	[tilespmem:$0xE100] =	vst v63  }
0x1e: {  	s13 =	rddreg [dreg:$0x5]  }
0x1f: {  	[tilespmem:s8], [sflag:$0x2] =	stream.linear.gather [hbm4b:s13+s3], $0x2000, $0x38;
	[tilespmem:$0xE100] =	vst v63  }
0x20: {  	s1 =	rddreg [dreg:$0x6]  }
0x21: {  	[tilespmem:s9], [sflag:$0x4] =	stream.linear.gather [hbm4b:s1+s3], $0x6000, $0x38;
	[tilespmem:$0xE100] =	vst v63  }
0x22: {  	s13 =	rddreg [dreg:$0x7]  }
0x23: {  	[tilespmem:s10], [sflag:$0x5] =	stream.linear.gather [hbm4b:s13+s3], $0x6000, $0x38;
	[tilespmem:$0xE100] =	vst v63  }
0x24: {  	_ =	swait.ge [sflag:s11], $0x100  }
0x25: {  	[sflag:s11] =	ssyncset.done $0x0  }
0x26: {  	[sflag:s11] =	ssyncadd.s32 $0xFFFFFF00  }
0x27: {  	_ =	swait.ge [sflag:s12], $0x6000  }
0x28: {  	[sflag:s12] =	ssyncset.done $0x0  }
0x29: {  	[sflag:s12] =	ssyncadd.s32 $0xFFFFA000  }
0x2a: {  	v3 =	vld [tilespmem:$0x0];
	_ =	sdelay $0x4  }
0x2b: {  	v4 =	vshrl.u32 v3, $0x3  }
0x2c: {  	v4 =	vmul.u32 $0x30, v4  }
0x2d: {  	v3 =	vand.u32 $0x7, v3  }
0x2e: {  	v3 =	vor.u32 v3, v4  }
0x2f: {  	v4 =	vperm.xlane v3, v0;
	_ =	sdelay $0x1  }
0x30: {  	v4 =	vadd.s32 v1, v4;
	_ =	sdelay $0x3  }
0x31: {  	v3 =	vperm.xlane v3, v2  }
0x32: {  	[hbm4b:s4+s3] =	stream.indirect_vreg.scatter [tilespmem:s9], [sflag:$0x3], $0x80, v4, vm0, $0xb8;
	[tilespmem:$0xE100] =	vst v63  }
0x33: {  	s1 =	rddreg [dreg:$0x8];
	v3 =	vadd.s32 v1, v3  }
0x34: {  	[hbm4b:s5+s3] =	stream.indirect_vreg.scatter [tilespmem:s1], [sflag:$0x3], $0x80, v4, vm0, $0xb8;
	[tilespmem:$0xE100] =	vst v63  }
0x35: {  	s13 =	rddreg [dreg:$0x9]  }
0x36: {  	[hbm4b:s6+s3] =	stream.indirect_vreg.scatter [tilespmem:s13], [sflag:$0x3], $0x80, v4, vm0, $0xb8;
	[tilespmem:$0xE100] =	vst v63  }
0x37: {  	s1 =	rddreg [dreg:$0xa]  }
0x38: {  	[hbm4b:s4+s3] =	stream.indirect_vreg.scatter [tilespmem:s1], [sflag:$0x3], $0x80, v3, vm0, $0xb8;
	[tilespmem:$0xE100] =	vst v63  }
0x39: {  	s13 =	rddreg [dreg:$0xb]  }
0x3a: {  	[hbm4b:s5+s3] =	stream.indirect_vreg.scatter [tilespmem:s13], [sflag:$0x3], $0x80, v3, vm0, $0xb8;
	[tilespmem:$0xE100] =	vst v63  }
0x3b: {  	s1 =	rddreg [dreg:$0xc]  }
0x3c: {  	[hbm4b:s6+s3] =	stream.indirect_vreg.scatter [tilespmem:s1], [sflag:$0x3], $0x80, v3, vm0, $0xb8;
	[tilespmem:$0xE100] =	vst v63  }
0x3d: {  	v3 =	vld [tilespmem:$0x10];
	_ =	sdelay $0x4  }
0x3e: {  	v61 =	vshrl.u32 v3, $0x3  }
0x3f: {  	v4 =	vmul.u32 $0x30, v61  }
0x40: {  	v3 =	vand.u32 $0x7, v3  }
0x41: {  	v3 =	vor.u32 v3, v4  }
0x42: {  	v4 =	vperm.xlane v3, v0;
	_ =	sdelay $0x1  }
0x43: {  	v4 =	vadd.s32 v1, v4;
	_ =	sdelay $0x3  }
0x44: {  	s1 =	rddreg [dreg:$0xd];
	v3 =	vperm.xlane v3, v2  }
0x45: {  	[hbm4b:s4+s3] =	stream.indirect_vreg.scatter [tilespmem:s1], [sflag:$0x3], $0x80, v4, vm0, $0xb8;
	[tilespmem:$0xE100] =	vst v63  }
0x46: {  	s13 =	rddreg [dreg:$0xe];
	v3 =	vadd.s32 v1, v3  }
0x47: {  	[hbm4b:s5+s3] =	stream.indirect_vreg.scatter [tilespmem:s13], [sflag:$0x3], $0x80, v4, vm0, $0xb8;
	[tilespmem:$0xE100] =	vst v63  }
0x48: {  	s1 =	rddreg [dreg:$0xf]  }
0x49: {  	[hbm4b:s6+s3] =	stream.indirect_vreg.scatter [tilespmem:s1], [sflag:$0x3], $0x80, v4, vm0, $0xb8;
	[tilespmem:$0xE100] =	vst v63  }
0x4a: {  	s13 =	rddreg [dreg:$0x10]  }
0x4b: {  	[hbm4b:s4+s3] =	stream.indirect_vreg.scatter [tilespmem:s13], [sflag:$0x3], $0x80, v3, vm0, $0xb8;
	[tilespmem:$0xE100] =	vst v63  }
0x4c: {  	s13 =	simm.s32 $0x5100  }
0x4d: {  	[hbm4b:s5+s3] =	stream.indirect_vreg.scatter [tilespmem:s13], [sflag:$0x3], $0x80, v3, vm0, $0xb8;
	[tilespmem:$0xE100] =	vst v63  }
0x4e: {  	_ = 	snop  }
0x4f: {  	[hbm4b:s6+s3] =	stream.indirect_vreg.scatter [tilespmem:s14], [sflag:$0x3], $0x80, v3, vm0, $0xb8;
	[tilespmem:$0xE100] =	vst v63  }
0x50: {  	_ =	swait.ge [sflag:s15], $0x6000  }
0x51: {  	[sflag:s15] =	ssyncset.done $0x0  }
0x52: {  	[sflag:s15] =	ssyncadd.s32 $0xFFFFA000  }
0x53: {  	v3 =	vld [tilespmem:$0x80];
	_ =	sdelay $0x4  }
0x54: {  	v62 =	vshrl.u32 v3, $0x3  }
0x55: {  	v4 =	vmul.u32 $0x30, v62  }
0x56: {  	v3 =	vand.u32 $0x7, v3  }
0x57: {  	v3 =	vor.u32 v3, v4  }
0x58: {  	v4 =	vperm.xlane v3, v0;
	_ =	sdelay $0x1  }
0x59: {  	v4 =	vadd.s32 v1, v4;
	_ =	sdelay $0x3  }
0x5a: {  	v3 =	vperm.xlane v3, v2  }
0x5b: {  	[hbm4b:s4+s3] =	stream.indirect_vreg.scatter [tilespmem:s10], [sflag:$0x3], $0x80, v4, vm0, $0xb8;
	[tilespmem:$0xE100] =	vst v63  }
0x5c: {  	v3 =	vadd.s32 v1, v3  }
0x5d: {  	[hbm4b:s5+s3] =	stream.indirect_vreg.scatter [tilespmem:s16], [sflag:$0x3], $0x80, v4, vm0, $0xb8;
	[tilespmem:$0xE100] =	vst v63  }
0x5e: {  	_ = 	snop  }
0x5f: {  	[hbm4b:s6+s3] =	stream.indirect_vreg.scatter [tilespmem:s17], [sflag:$0x3], $0x80, v4, vm0, $0xb8;
	[tilespmem:$0xE100] =	vst v63  }
0x60: {  	_ = 	snop  }
0x61: {  	[hbm4b:s4+s3] =	stream.indirect_vreg.scatter [tilespmem:s18], [sflag:$0x3], $0x80, v3, vm0, $0xb8;
	[tilespmem:$0xE100] =	vst v63  }
0x62: {  	_ = 	snop  }
0x63: {  	[hbm4b:s5+s3] =	stream.indirect_vreg.scatter [tilespmem:s19], [sflag:$0x3], $0x80, v3, vm0, $0xb8;
	[tilespmem:$0xE100] =	vst v63  }
0x64: {  	_ = 	snop  }
0x65: {  	[hbm4b:s6+s3] =	stream.indirect_vreg.scatter [tilespmem:s20], [sflag:$0x3], $0x80, v3, vm0, $0xb8;
	[tilespmem:$0xE100] =	vst v63  }
0x66: {  	v3 =	vld [tilespmem:$0x90];
	_ =	sdelay $0x4  }
0x67: {  	v63 =	vshrl.u32 v3, $0x3  }
0x68: {  	v4 =	vmul.u32 $0x30, v63  }
0x69: {  	v3 =	vand.u32 $0x7, v3  }
0x6a: {  	v3 =	vor.u32 v3, v4  }
0x6b: {  	v4 =	vperm.xlane v3, v0;
	_ =	sdelay $0x1  }
0x6c: {  	v4 =	vadd.s32 v1, v4;
	_ =	sdelay $0x3  }
0x6d: {  	v3 =	vperm.xlane v3, v2  }
0x6e: {  	[hbm4b:s4+s3] =	stream.indirect_vreg.scatter [tilespmem:s21], [sflag:$0x3], $0x80, v4, vm0, $0xb8;
	[tilespmem:$0xE100] =	vst v63  }
0x6f: {  	v3 =	vadd.s32 v1, v3  }
0x70: {  	[hbm4b:s5+s3] =	stream.indirect_vreg.scatter [tilespmem:s22], [sflag:$0x3], $0x80, v4, vm0, $0xb8;
	[tilespmem:$0xE100] =	vst v63  }
0x71: {  	_ = 	snop  }
0x72: {  	[hbm4b:s6+s3] =	stream.indirect_vreg.scatter [tilespmem:s23], [sflag:$0x3], $0x80, v4, vm0, $0xb8;
	[tilespmem:$0xE100] =	vst v63  }
0x73: {  	_ = 	snop  }
0x74: {  	[hbm4b:s4+s3] =	stream.indirect_vreg.scatter [tilespmem:s24], [sflag:$0x3], $0x80, v3, vm0, $0xb8;
	[tilespmem:$0xE100] =	vst v63  }
0x75: {  	_ = 	snop  }
0x76: {  	[hbm4b:s5+s3] =	stream.indirect_vreg.scatter [tilespmem:s25], [sflag:$0x3], $0x80, v3, vm0, $0xb8;
	[tilespmem:$0xE100] =	vst v63  }
0x77: {  	_ = 	snop  }
0x78: {  	[hbm4b:s6+s3] =	stream.indirect_vreg.scatter [tilespmem:s26], [sflag:$0x3], $0x80, v3, vm0, $0xb8;
	[tilespmem:$0xE100] =	vst v63  }
0x79: {  	_ =	swait.ge [sflag:s28], $0x2000  }
0x7a: {  	[sflag:s28] =	ssyncset.done $0x0  }
0x7b: {  	[sflag:s28] =	ssyncadd.s32 $0xFFFFE000  }
0x7c: {  	[hbm4b:s2+s29] =	stream.indirect.scatter [tilespmem:s8], [sflag:$0x3], $0x80, s3, s29, $0xb8;
	[tilespmem:$0xE100] =	vst v63  }
0x7d: {  	_ = 	snop  }
0x7e: {  	[hbm4b:s2+s29] =	stream.indirect.scatter [tilespmem:s31], [sflag:$0x3], $0x80, s30, s29, $0xb8;
	[tilespmem:$0xE100] =	vst v63  }
0x7f: {  	_ =	swait.ge [sflag:s0], $0x6000  }
0x80: {  	[sflag:s0] =	ssyncset.done $0x0  }
0x81: {  	[sflag:s0] =	ssyncadd.s32 $0xFFFFA000  }
0x82: {  	_ =	swait.ge [sflag:s0], $0x6000  }
0x83: {  	[sflag:s0] =	ssyncset.done $0x0  }
0x84: {  	[sflag:s0] =	ssyncadd.s32 $0xFFFFA000  }
0x85: {  	p0 =	sne.s32 s7, $0x1;
	_ =	swait.ge [sflag:s0], $0x1000  }
.Ltmp0:
0x86: {  	[sflag:s0] =	ssyncset.done $0x0;
	(pc) =	sbr.rel @p0 .LBB2_1-.Ltmp0, $4  }
0x87: {  	[sflag:s0] =	ssyncadd.s32 $0xFFFFF000  }
0x88: {  	_ =	swait.ge [sflag:s0], $0x1000  }
0x89: {  	[sflag:s0] =	ssyncset.done $0x0  }
0x8a: {  	s7 =	sadd.s32 $0xFFFFFFFF, s7;
	[sflag:s0] =	ssyncadd.s32 $0xFFFFF000  }
0x8b: {  	_ =	sfence.sel $0x180000  }
0x8c: {  	[bflag:$0x0] =	sbarrier.arrive $0xFFFF  }
0x8d: {  	_ =	strace $0x90000047  }
0x8e: {  	s0 =	stileid.u32;
	[bflag:$0x2] =	sbarrier.arrive $0xFFFF  }
0x8f: {  	p0 =	sne.s32 s0, $0x0;
	s0 =	rddreg [dreg:$0x3]  }
0x90: {  	s0 =	sadd.s32 @!p0 $0x100000, s0  }
0x91: {  	[sflag:s0] =	ssyncadd.tile.s32 @!p0 $0x1;
	_ =	shalt  }
.Lfunc_end2:
_tile_overlayer_lowered:
.L_overlay_start_2:
0x92: {  	(tag) =	ssettag $0x2  }
0x93: {  	s0 =	rddreg [dreg:$0x0];
	s2 =	stileid.u32  }
0x94: {  	s1 =	rddreg [dreg:$0x1];
	p0 =	sne.s32 s2, $0x0  }
0x95: {  	s3 =	rddreg [dreg:$0x2];
	[bflag:$0x3] =	sbarrier.arrive $0xFFFF;
	s2 =	simm.s32 @!p0 $0x1C06  }
0x96: {  	[timem:s3], [sflag:s2] =	dma.local @!p0 [hbm:s0], s1  }
0x97: {  	s0 =	simm.s32 @!p0 $0x6  }
0x98: {  	_ =	swait.ge @!p0 [sflag:s0], s1  }
0x99: {  	s1 =	ssub.s32 @!p0 $0x0, s1;
	[sflag:s0] =	ssyncset.done @!p0 $0x0  }
0x9a: {  	[sflag:s0] =	ssyncadd.s32 @!p0 s1  }
0x9b: {  	[bflag:$0x3] =	sbarrier.arrive $0xFFFF  }
0x9c: {  	_ =	shalt  }

// kernel: kernel.9.cloned.1.call-start
scs
__scs_entry_jumppad:
0x0: {  	(pc) =	sbr.rel $0x88, $3  }
0x1: {  	(tag) =	ssettag $0x0;
	lr =	simm.s32 $0x1  }
0x2: {  	[smem:$0x3F9A] =	sst lr;
	_ =	strace $0xD0000000  }
0x3: {  	_ = 	snop  }
0x4: {  	_ = 	snop  }
0x5: {  	_ = 	snop  }
0x6: {  	_ = 	snop  }
0x7: {  	_ = 	snop  }
__scs_overlays_trampoline_lowered:
0x8: {  	[smem:$0x3FA9] =	sst s0  }
0x9: {  	[smem:$0x3FAA] =	sst s1  }
0xa: {  	[smem:$0x3FAB] =	sst s2  }
0xb: {  	[smem:$0x3FAC] =	sst s3  }
0xc: {  	[smem:$0x3FAD] =	sst s4  }
0xd: {  	[smem:$0x3FAE] =	sst s5  }
0xe: {  	[smem:$0x3FAF] =	sst s6  }
0xf: {  	[smem:$0x3FB0] =	sst s7  }
0x10: {  	[smem:$0x3FB1] =	sst s8  }
0x11: {  	[smem:$0x3FB2] =	sst s9;
	s0 =	simm.s32 @!p0 $0x0  }
0x12: {  	s1 =	sld [smem:$0x3F98];
	s0 =	simm.s32 @p0 $0x1  }
0x13: {  	[smem:$0x3FB3] =	sst s0;
	s0 =	simm.s32 @!p1 $0x0  }
0x14: {  	s2 =	sld [smem:$0x3F97];
	s0 =	simm.s32 @p1 $0x1  }
0x15: {  	[smem:$0x3FB4] =	sst s0;
	s0 =	simm.s32 @!p2 $0x0  }
0x16: {  	s3 =	sld [smem:$0x3FDB];
	s0 =	simm.s32 @p2 $0x1  }
0x17: {  	s4 =	simm.s32 $0x1BF5;
	[smem:$0x3FB6] =	sst s0  }
0x18: {  	s0 =	sld [smem:$0x3F99];
	_ =	swait.ge [sflag:s4], $0x0  }
0x19: {  	s7 =	sld [smem:$0x3F9A]  }
0x1a: {  	s8 =	sadd.s32 $0xFFFFE003, lr  }
0x1b: {  	s9 =	sadd.s32 $0xFFFFFEF7, lr;
	s5 =	simm.s32 $0xFFFFFFFF;
	p2 =	slt.u32 s8, $0xFFFFF086  }
0x1c: {  	p1 =	slt.u32 s9, $0xF7A;
	s5 =	simm.s32 @!p2 $0x0  }
0x1d: {  	s5 =	simm.s32 @p1 $0x1;
	p0 =	seq.s32 s7, s2  }
0x1e: {  	s7 =	smul.u32 @!p0 $0xF7A, s2;
	p2 =	seq.s32 @!p0 s5, $0x0  }
0x1f: {  	s9 =	smul.u32 $0xF7A, s1;
	s8 =	simm.s32 @!p0 $0x1BF5;
	p2 =	por !p2, p0  }
0x20: {  	[sflag:s8] =	ssyncset.s32 @!p0 $0xFFFFF086;
	s6 =	sadd.s32 @!p0 s3, s7;
	s7 =	simm.s32 @!p0 $0x108  }
0x21: {  	s3 =	sadd.s32 s3, s9;
	s6 =	sadd.s32 @!p0 $0x88, s6;
	s7 =	simm.s32 @p2 $0x1082  }
0x22: {  	[simem:s7], [sflag:s8] =	dma.local @!p0 [hbm:s6], $0xF7A  }
0x23: {  	s9 =	sor.u32 $0xD0000000, s2;
	s6 =	simm.s32 $0x108;
	_ =	swait.ge @!p0 [sflag:s8], $0x0  }
0x24: {  	s3 =	sadd.s32 $0x88, s3;
	s6 =	simm.s32 @!p1 $0x1082;
	[sflag:s4] =	ssyncset.s32 $0xFFFFF086  }
0x25: {  	[simem:s6], [sflag:s4] =	dma.local [hbm:s3], $0xF7A  }
0x26: {  	[smem:$0x3F9A] =	sst s1;
	(tag) =	ssettag s2;
	_ =	strace s9  }
0x27: {  	s1 =	sld [smem:$0x3FAA]  }
0x28: {  	s2 =	sld [smem:$0x3FAB]  }
0x29: {  	s4 =	sld [smem:$0x3FAD]  }
0x2a: {  	p0 =	seq.s32 s5, $0x0;
	s5 =	sld [smem:$0x3FAE]  }
0x2b: {  	s6 =	sld [smem:$0x3FAF]  }
0x2c: {  	s7 =	sld [smem:$0x3FB0]  }
0x2d: {  	s3 =	simm.s32 $0x108;
	s8 =	sld [smem:$0x3FB1]  }
0x2e: {  	s3 =	simm.s32 @!p0 $0x1082;
	s9 =	sld [smem:$0x3FB2]  }
0x2f: {  	lr =	sadd.s32 s0, s3;
	s0 =	sld [smem:$0x3FA9]  }
0x30: {  	s3 =	sld [smem:$0x3FAC]  }
0x31: {  	[smem:$0x3FB5] =	sst s10  }
0x32: {  	s10 =	sld [smem:$0x3FB3];
	_ =	sdelay $0x3  }
0x33: {  	p0 =	seq.s32 s10, $0x1;
	s10 =	sld [smem:$0x3FB5];
	_ =	sdelay $0x3  }
0x34: {  	[smem:$0x3FB5] =	sst s10  }
0x35: {  	s10 =	sld [smem:$0x3FB4];
	_ =	sdelay $0x3  }
0x36: {  	p1 =	seq.s32 s10, $0x1;
	s10 =	sld [smem:$0x3FB5];
	_ =	sdelay $0x3  }
0x37: {  	[smem:$0x3FB5] =	sst s10  }
0x38: {  	s10 =	sld [smem:$0x3FB6]  }
0x39: {  	_ = 	snop;
	(pc) =	sbr.ind lr, $3  }
0x3a: {  	_ = 	snop  }
0x3b: {  	_ = 	snop  }
0x3c: {  	p2 =	seq.s32 s10, $0x1;
	s10 =	sld [smem:$0x3FB5]  }
0x3d: {  	_ =	shalt  }
0x3e: {  	_ =	shalt  }
0x3f: {  	_ =	shalt  }
0x40: {  	_ =	shalt  }
0x41: {  	_ =	shalt  }
0x42: {  	_ =	shalt  }
0x43: {  	_ =	shalt  }
0x44: {  	_ =	shalt  }
0x45: {  	_ =	shalt  }
0x46: {  	_ =	shalt  }
0x47: {  	_ =	shalt  }
0x48: {  	_ =	shalt  }
0x49: {  	_ =	shalt  }
0x4a: {  	_ =	shalt  }
0x4b: {  	_ =	shalt  }
0x4c: {  	_ =	shalt  }
0x4d: {  	_ =	shalt  }
0x4e: {  	_ =	shalt  }
0x4f: {  	_ =	shalt  }
0x50: {  	_ =	shalt  }
0x51: {  	_ =	shalt  }
0x52: {  	_ =	shalt  }
0x53: {  	_ =	shalt  }
0x54: {  	_ =	shalt  }
0x55: {  	_ =	shalt  }
0x56: {  	_ =	shalt  }
0x57: {  	_ =	shalt  }
0x58: {  	_ =	shalt  }
0x59: {  	_ =	shalt  }
0x5a: {  	_ =	shalt  }
0x5b: {  	_ =	shalt  }
0x5c: {  	_ =	shalt  }
0x5d: {  	_ =	shalt  }
0x5e: {  	_ =	shalt  }
0x5f: {  	_ =	shalt  }
0x60: {  	_ =	shalt  }
0x61: {  	_ =	shalt  }
0x62: {  	_ =	shalt  }
0x63: {  	_ =	shalt  }
0x64: {  	_ =	shalt  }
0x65: {  	_ =	shalt  }
0x66: {  	_ =	shalt  }
0x67: {  	_ =	shalt  }
0x68: {  	_ =	shalt  }
0x69: {  	_ =	shalt  }
0x6a: {  	_ =	shalt  }
0x6b: {  	_ =	shalt  }
0x6c: {  	_ =	shalt  }
0x6d: {  	_ =	shalt  }
0x6e: {  	_ =	shalt  }
0x6f: {  	_ =	shalt  }
0x70: {  	_ =	shalt  }
0x71: {  	_ =	shalt  }
0x72: {  	_ =	shalt  }
0x73: {  	_ =	shalt  }
0x74: {  	_ =	shalt  }
0x75: {  	_ =	shalt  }
0x76: {  	_ =	shalt  }
0x77: {  	_ =	shalt  }
0x78: {  	_ =	shalt  }
0x79: {  	_ =	shalt  }
0x7a: {  	_ =	shalt  }
0x7b: {  	_ =	shalt  }
0x7c: {  	_ =	shalt  }
0x7d: {  	_ =	shalt  }
0x7e: {  	_ =	shalt  }
0x7f: {  	_ =	shalt  }
0x80: {  	_ =	shalt  }
0x81: {  	_ =	shalt  }
0x82: {  	_ =	shalt  }
0x83: {  	_ =	shalt  }
0x84: {  	_ =	shalt  }
0x85: {  	_ =	shalt  }
0x86: {  	_ =	shalt  }
0x87: {  	_ =	shalt  }
.Lfunc_end0:
.L_simem_size_0:
called_computation.1_lowered:
.L_overlay_start_0:
0x88: {  	s2 =	sld [smem:$0x3FD9]  }
0x89: {  	s3 =	sld [smem:$0x3FFE];
	_ =	sdelay $0x1  }
0x8a: {  	s1 =	srdreg.scid  }
0x8b: {  	s0 =	sand.u32 $0x1, s1  }
0x8c: {  	s17 =	sshll.u32 s0, $0xA;
	s2 =	sadd.s32 s3, s2  }
0x8d: {  	s2 =	sadd.s32 s2, s17  }
0x8e: {  	[smem:$0x3FC1] =	sst s2  }
0x8f: {  	_ = 	snop  }
0x90: {  	s2 =	sld [smem:$0x3FD0];
	(tm) =	ssettm $0x1  }
0x91: {  	s18 =	sld [smem:$0x3FFB];
	_ =	sdelay $0x3  }
0x92: {  	_ =	strace s18  }
0x93: {  	s3 =	sld [smem:$0x3FFC];
	_ =	sdelay $0x3  }
0x94: {  	_ =	strace s3  }
0x95: {  	s3 =	sld [smem:$0x3FFD];
	_ =	sdelay $0x3  }
0x96: {  	_ =	strace s3  }
0x97: {  	_ =	strace $0x8FFFFFFF  }
0x98: {  	s19 =	sld [smem:$0x3FDB];
	_ =	sdelay $0x1  }
0x99: {  	s4 =	simm.s32 $_scs_section_size  }
0x9a: {  	s5 =	simm.s32 $_size__tile_overlayer_lowered;
	s6 =	simm.s32 $_tile_overlayer_lowered  }
0x9b: {  	s22 =	simm.s32 $0x1BFF;
	s21 =	sshll.u32 s6, $0x1;
	s3 =	sadd.s32 s4, s19  }
0x9c: {  	s7 =	simm.s32 $0x0;
	s20 =	sshll.u32 s5, $0x1;
	s5 =	sadd.s32 s21, s3  }
0x9d: {  	[timem:s7], [sflag:s22] =	dma.local [hbm:s5], s20  }
0x9e: {  	_ =	swait.ge [sflag:s22], s20  }
0x9f: {  	s4 =	ssub.s32 $0x0, s20;
	[sflag:s22] =	ssyncset.done $0x0  }
0xa0: {  	[sflag:s22] =	ssyncadd.s32 s4;
	_ =	sdelay $0x1  }
0xa1: {  	s23 =	simm.s32 $0x1B8B  }
0xa2: {  	_ =	swait.ge [sflag:s23], $0x1  }
0xa3: {  	[sflag:s23] =	ssyncset.done $0x0  }
0xa4: {  	s25 =	simm.s32 $0x1B8E;
	s24 =	sld [smem:$0x3FFE];
	[sflag:s23] =	ssyncadd.s32 $0xFFFFFFFF  }
0xa5: {  	s26 =	simm.s32 $execute0_lowered;
	[smem:$0x3FD2] =	sst s25  }
0xa6: {  	s5 =	sshll.u32 s26, $0x1;
	_ =	strace $0x80000049;
	[dreg:$0x1] =	wrdreg $0xFFFFFFFF  }
0xa7: {  	s28 =	simm.s32 $_size_execute0_lowered;
	s3 =	sadd.s32 s3, s5;
	[dreg:$0x0] =	wrdreg $0x0  }
0xa8: {  	s5 =	sshll.u32 s28, $0x1;
	[dreg:$0x2] =	wrdreg s3  }
0xa9: {  	[dreg:$0x3] =	wrdreg s5  }
0xaa: {  	[dreg:$0x4] =	wrdreg $0xC0  }
0xab: {  	_ =	task [dreg:s7], $0x5FFFF  }
0xac: {  	[dreg:$0x1] =	wrdreg $0xFFFFFFFF  }
0xad: {  	[dreg:$0x0] =	wrdreg $0x60  }
0xae: {  	[dreg:$0x2] =	wrdreg s24  }
0xaf: {  	[dreg:$0x3] =	wrdreg s2  }
0xb0: {  	[dreg:$0x4] =	wrdreg $0x9  }
0xb1: {  	_ =	task.clear_ibuf [dreg:s7], $0x5FFFF;
	_ =	strace $0x90000049  }
0xb2: {  	s29 =	simm.s32 $0x9;
	_ =	strace $0x8000004B  }
0xb3: {  	_ =	swait.ge [sflag:s29], $0x1  }
0xb4: {  	[sflag:s29] =	ssyncadd.s32 $0xFFFFFFFF  }
0xb5: {  	_ =	strace $0x9000004B  }
0xb6: {  	_ =	sfence  }
0xb7: {  	s30 =	sld [smem:$0x0];
	_ =	sdelay $0x2  }
0xb8: {  	s31 =	sshll.u32 s1, $0xD;
	s1 =	sshrl.u32 s1, $0x2  }
0xb9: {  	s3 =	sand.u32 $0x4000, s31;
	s1 =	sadd.s32 s1, s30  }
0xba: {  	s0 =	sor.u32 s3, s0;
	s1 =	sshll.u32 s1, $0x11  }
0xbb: {  	s0 =	sor.u32 s1, s0  }
0xbc: {  	s0 =	sadd.s32 $0x8F2B, s0  }
0xbd: {  	[sflag:s0] =	ssyncadd.remote.s32 $0x1  }
0xbe: {  	_ =	sfence.sel $0xFFFF  }
0xbf: {  	[dreg:$0x0] =	wrdreg $0xFFFFFFFF;
	(pc) =	sbr.abs _section_cstart, $3  }
0xc0: {  	[dreg:$0x1] =	wrdreg $0xFFFFFFFF  }
0xc1: {  	_ =	task.clear_ibuf [dreg:s7], $0x2FFFF;
	_ =	strace $0x9FFFFFFF  }
0xc2: {  	(tm) =	ssettm $0x7FFFFFFF  }
0xc3: {  	_ =	shalt  }
tec
execute0_lowered:
.L_overlay_start_1:
0x0: {  	(tag) =	ssettag $0x1  }
0x1: {  	s0 =	rddreg [dreg:$0x0]  }
0x2: {  	s5 =	rddreg [dreg:$0x1]  }
0x3: {  	s3 =	srdreg.scid;
	s1 =	stileid.u32;
	s2 =	simm.s32 $0x0  }
0x4: {  	s24 =	simm.s32 $0x900;
	s25 =	simm.s32 $0x1100;
	s26 =	simm.s32 $0x1900  }
0x5: {  	s10 =	simm.s32 $0x2900;
	s11 =	simm.s32 $0x3100;
	s12 =	simm.s32 $0x3900  }
0x6: {  	s13 =	simm.s32 $0x4100;
	s14 =	simm.s32 $0x4900;
	s15 =	simm.s32 $0x5100  }
0x7: {  	s16 =	simm.s32 $0x5900;
	s17 =	simm.s32 $0x6100;
	s18 =	simm.s32 $0x6900  }
0x8: {  	s19 =	simm.s32 $0x7100;
	s20 =	simm.s32 $0x7900;
	s28 =	simm.s32 $0xB100  }
0x9: {  	s29 =	simm.s32 $0xB900;
	s30 =	simm.s32 $0x2;
	s31 =	simm.s32 $0x3  }
0xa: {  	s4 =	sand.u32 $0x1, s3;
	s21 =	sshll.u32 s1, $0x1;
	[smem:$0x7FF] =	sst s2  }
0xb: {  	s3 =	sadd.s32 $0x8C00, s0;
	_ =	strace $0x8000004A;
	[dreg:$0x6] =	wrdreg s24  }
0xc: {  	s6 =	sor.u32 s4, s21;
	s4 =	ssub.s32 $0x2, s4;
	[dreg:$0x7] =	wrdreg s25  }
0xd: {  	[dreg:$0x8] =	wrdreg s26;
	s21 =	simm.s32 $0x8100;
	s24 =	simm.s32 $0x9900  }
0xe: {  	s25 =	simm.s32 $0xA100;
	s26 =	simm.s32 $0xA900;
	s8 =	smul.u32 $0xC000, s6  }
0xf: {  	s7 =	sshll.u32 s6, $0x5;
	s9 =	sshrl.u32 s4, $0x1;
	s6 =	smul.u32 $0x1800, s6  }
0x10: {  	s7 =	sadd.s32 s7, s0;
	s9 =	ssub.s32 s4, s9;
	s4 =	sadd.s32 $0x8D00, s0  }
0x11: {  	s7 =	sadd.s32 $0x8800, s7;
	s22 =	sshrl.u32 s8, $0x3;
	s6 =	sadd.s32 s5, s6  }
0x12: {  	s8 =	simm.s32 $0x100;
	[dreg:$0x3] =	wrdreg s7;
	s7 =	sadd.s32 s5, s22  }
0x13: {  	v2 =	vlaneseq.u32;
	s5 =	sadd.s32 $0x8E00, s0;
	[dreg:$0x4] =	wrdreg s6;
	s6 =	smax.u32 s9, $0x1  }
0x14: {  	vm0 =	vmmov $0xffff;
	v1 =	vshrl.u32 v2, $0x3;
	s22 =	simm.s32 $0x8900;
	s0 =	simm.s32 $0x1;
	s23 =	sadd.s32 $0xC00, s7  }
0x15: {  	v0 =	vand.u32 $0x7, v2;
	v2 =	vor.u32 $0x8, v2;
	v1 =	vmul.u32 $0x8, v1;
	s7 =	simm.s32 $0x4;
	[dreg:$0x5] =	wrdreg s23;
	s23 =	simm.s32 $0x9100  }
.LBB2_1:
0x16: {  	s1 =	rddreg [dreg:$0x3]  }
0x17: {  	[tilespmem:s2], [sflag:$0x4] =	stream.linear.gather [hbm4b:s1+s2], $0x100, $0x38;
	[tilespmem:$0xC100] =	vst v63  }
0x18: {  	_ =	swait.ge [sflag:s7], $0x100  }
0x19: {  	[sflag:s7] =	ssyncset.done $0x0  }
0x1a: {  	[sflag:s7] =	ssyncadd.s32 $0xFFFFFF00  }
0x1b: {  	v3 =	vld [tilespmem:$0x0];
	_ =	sdelay $0x4  }
0x1c: {  	v4 =	vshrl.u32 v3, $0x3  }
0x1d: {  	v4 =	vmul.u32 $0x30, v4  }
0x1e: {  	v3 =	vand.u32 $0x7, v3  }
0x1f: {  	v3 =	vor.u32 v3, v4  }
0x20: {  	v4 =	vperm.xlane v3, v0;
	_ =	sdelay $0x1  }
0x21: {  	v4 =	vadd.s32 v1, v4;
	_ =	sdelay $0x3  }
0x22: {  	v3 =	vperm.xlane v3, v2  }
0x23: {  	[tilespmem:s8], [sflag:$0x2] =	stream.indirect_vreg.gather [hbm4b:s3+s2], $0x80, v4, vm0, $0xb8;
	[tilespmem:$0xC100] =	vst v63  }
0x24: {  	s1 =	rddreg [dreg:$0x6];
	v3 =	vadd.s32 v1, v3  }
0x25: {  	[tilespmem:s1], [sflag:$0x2] =	stream.indirect_vreg.gather [hbm4b:s4+s2], $0x80, v4, vm0, $0xb8;
	[tilespmem:$0xC100] =	vst v63  }
0x26: {  	s9 =	rddreg [dreg:$0x7]  }
0x27: {  	[tilespmem:s9], [sflag:$0x2] =	stream.indirect_vreg.gather [hbm4b:s5+s2], $0x80, v4, vm0, $0xb8;
	[tilespmem:$0xC100] =	vst v63  }
0x28: {  	s1 =	rddreg [dreg:$0x8]  }
0x29: {  	[tilespmem:s1], [sflag:$0x2] =	stream.indirect_vreg.gather [hbm4b:s3+s2], $0x80, v3, vm0, $0xb8;
	[tilespmem:$0xC100] =	vst v63  }
0x2a: {  	s9 =	simm.s32 $0x2100  }
0x2b: {  	[tilespmem:s9], [sflag:$0x2] =	stream.indirect_vreg.gather [hbm4b:s4+s2], $0x80, v3, vm0, $0xb8;
	[tilespmem:$0xC100] =	vst v63  }
0x2c: {  	_ = 	snop  }
0x2d: {  	[tilespmem:s10], [sflag:$0x2] =	stream.indirect_vreg.gather [hbm4b:s5+s2], $0x80, v3, vm0, $0xb8;
	[tilespmem:$0xC100] =	vst v63  }
0x2e: {  	v3 =	vld [tilespmem:$0x10];
	_ =	sdelay $0x4  }
0x2f: {  	v61 =	vshrl.u32 v3, $0x3  }
0x30: {  	v4 =	vmul.u32 $0x30, v61  }
0x31: {  	v3 =	vand.u32 $0x7, v3  }
0x32: {  	v3 =	vor.u32 v3, v4  }
0x33: {  	v4 =	vperm.xlane v3, v0;
	_ =	sdelay $0x1  }
0x34: {  	v4 =	vadd.s32 v1, v4;
	_ =	sdelay $0x3  }
0x35: {  	v3 =	vperm.xlane v3, v2  }
0x36: {  	[tilespmem:s11], [sflag:$0x2] =	stream.indirect_vreg.gather [hbm4b:s3+s2], $0x80, v4, vm0, $0xb8;
	[tilespmem:$0xC100] =	vst v63  }
0x37: {  	v3 =	vadd.s32 v1, v3  }
0x38: {  	[tilespmem:s12], [sflag:$0x2] =	stream.indirect_vreg.gather [hbm4b:s4+s2], $0x80, v4, vm0, $0xb8;
	[tilespmem:$0xC100] =	vst v63  }
0x39: {  	_ = 	snop  }
0x3a: {  	[tilespmem:s13], [sflag:$0x2] =	stream.indirect_vreg.gather [hbm4b:s5+s2], $0x80, v4, vm0, $0xb8;
	[tilespmem:$0xC100] =	vst v63  }
0x3b: {  	_ = 	snop  }
0x3c: {  	[tilespmem:s14], [sflag:$0x2] =	stream.indirect_vreg.gather [hbm4b:s3+s2], $0x80, v3, vm0, $0xb8;
	[tilespmem:$0xC100] =	vst v63  }
0x3d: {  	_ = 	snop  }
0x3e: {  	[tilespmem:s15], [sflag:$0x2] =	stream.indirect_vreg.gather [hbm4b:s4+s2], $0x80, v3, vm0, $0xb8;
	[tilespmem:$0xC100] =	vst v63  }
0x3f: {  	_ = 	snop  }
0x40: {  	[tilespmem:s16], [sflag:$0x2] =	stream.indirect_vreg.gather [hbm4b:s5+s2], $0x80, v3, vm0, $0xb8;
	[tilespmem:$0xC100] =	vst v63  }
0x41: {  	v3 =	vld [tilespmem:$0x80];
	_ =	sdelay $0x4  }
0x42: {  	v62 =	vshrl.u32 v3, $0x3  }
0x43: {  	v4 =	vmul.u32 $0x30, v62  }
0x44: {  	v3 =	vand.u32 $0x7, v3  }
0x45: {  	v3 =	vor.u32 v3, v4  }
0x46: {  	v4 =	vperm.xlane v3, v0;
	_ =	sdelay $0x1  }
0x47: {  	v4 =	vadd.s32 v1, v4;
	_ =	sdelay $0x3  }
0x48: {  	v3 =	vperm.xlane v3, v2  }
0x49: {  	[tilespmem:s17], [sflag:$0x3] =	stream.indirect_vreg.gather [hbm4b:s3+s2], $0x80, v4, vm0, $0xb8;
	[tilespmem:$0xC100] =	vst v63  }
0x4a: {  	v3 =	vadd.s32 v1, v3  }
0x4b: {  	[tilespmem:s18], [sflag:$0x3] =	stream.indirect_vreg.gather [hbm4b:s4+s2], $0x80, v4, vm0, $0xb8;
	[tilespmem:$0xC100] =	vst v63  }
0x4c: {  	_ = 	snop  }
0x4d: {  	[tilespmem:s19], [sflag:$0x3] =	stream.indirect_vreg.gather [hbm4b:s5+s2], $0x80, v4, vm0, $0xb8;
	[tilespmem:$0xC100] =	vst v63  }
0x4e: {  	_ = 	snop  }
0x4f: {  	[tilespmem:s20], [sflag:$0x3] =	stream.indirect_vreg.gather [hbm4b:s3+s2], $0x80, v3, vm0, $0xb8;
	[tilespmem:$0xC100] =	vst v63  }
0x50: {  	_ = 	snop  }
0x51: {  	[tilespmem:s21], [sflag:$0x3] =	stream.indirect_vreg.gather [hbm4b:s4+s2], $0x80, v3, vm0, $0xb8;
	[tilespmem:$0xC100] =	vst v63  }
0x52: {  	_ = 	snop  }
0x53: {  	[tilespmem:s22], [sflag:$0x3] =	stream.indirect_vreg.gather [hbm4b:s5+s2], $0x80, v3, vm0, $0xb8;
	[tilespmem:$0xC100] =	vst v63  }
0x54: {  	v3 =	vld [tilespmem:$0x90];
	_ =	sdelay $0x4  }
0x55: {  	v63 =	vshrl.u32 v3, $0x3  }
0x56: {  	v4 =	vmul.u32 $0x30, v63  }
0x57: {  	v3 =	vand.u32 $0x7, v3  }
0x58: {  	v3 =	vor.u32 v3, v4  }
0x59: {  	v4 =	vperm.xlane v3, v0;
	_ =	sdelay $0x1  }
0x5a: {  	v4 =	vadd.s32 v1, v4;
	_ =	sdelay $0x3  }
0x5b: {  	v3 =	vperm.xlane v3, v2  }
0x5c: {  	[tilespmem:s23], [sflag:$0x3] =	stream.indirect_vreg.gather [hbm4b:s3+s2], $0x80, v4, vm0, $0xb8;
	[tilespmem:$0xC100] =	vst v63  }
0x5d: {  	v3 =	vadd.s32 v1, v3  }
0x5e: {  	[tilespmem:s24], [sflag:$0x3] =	stream.indirect_vreg.gather [hbm4b:s4+s2], $0x80, v4, vm0, $0xb8;
	[tilespmem:$0xC100] =	vst v63  }
0x5f: {  	_ = 	snop  }
0x60: {  	[tilespmem:s25], [sflag:$0x3] =	stream.indirect_vreg.gather [hbm4b:s5+s2], $0x80, v4, vm0, $0xb8;
	[tilespmem:$0xC100] =	vst v63  }
0x61: {  	_ = 	snop  }
0x62: {  	[tilespmem:s26], [sflag:$0x3] =	stream.indirect_vreg.gather [hbm4b:s3+s2], $0x80, v3, vm0, $0xb8;
	[tilespmem:$0xC100] =	vst v63  }
0x63: {  	_ = 	snop  }
0x64: {  	[tilespmem:s28], [sflag:$0x3] =	stream.indirect_vreg.gather [hbm4b:s4+s2], $0x80, v3, vm0, $0xb8;
	[tilespmem:$0xC100] =	vst v63  }
0x65: {  	_ = 	snop  }
0x66: {  	[tilespmem:s29], [sflag:$0x3] =	stream.indirect_vreg.gather [hbm4b:s5+s2], $0x80, v3, vm0, $0xb8;
	[tilespmem:$0xC100] =	vst v63  }
0x67: {  	_ =	swait.ge [sflag:s30], $0x6000  }
0x68: {  	[sflag:s30] =	ssyncset.done $0x0  }
0x69: {  	s9 =	rddreg [dreg:$0x4];
	[sflag:s30] =	ssyncadd.s32 $0xFFFFA000  }
0x6a: {  	[hbm4b:s9+s2] =	stream.linear.scatter [tilespmem:s8], [sflag:$0x1], $0x6000, $0x38;
	[tilespmem:$0xC100] =	vst v63  }
0x6b: {  	_ =	swait.ge [sflag:s31], $0x6000  }
0x6c: {  	[sflag:s31] =	ssyncset.done $0x0  }
0x6d: {  	s9 =	rddreg [dreg:$0x5];
	[sflag:s31] =	ssyncadd.s32 $0xFFFFA000  }
0x6e: {  	[hbm4b:s9+s2] =	stream.linear.scatter [tilespmem:s17], [sflag:$0x1], $0x6000, $0x38;
	[tilespmem:$0xC100] =	vst v63  }
0x6f: {  	p0 =	sne.s32 s6, $0x1;
	_ =	swait.ge [sflag:s0], $0x6000  }
.Ltmp0:
0x70: {  	[sflag:s0] =	ssyncset.done $0x0;
	(pc) =	sbr.rel @p0 .LBB2_1-.Ltmp0, $4  }
0x71: {  	[sflag:s0] =	ssyncadd.s32 $0xFFFFA000  }
0x72: {  	_ =	swait.ge [sflag:s0], $0x6000  }
0x73: {  	[sflag:s0] =	ssyncset.done $0x0  }
0x74: {  	s6 =	sadd.s32 $0xFFFFFFFF, s6;
	[sflag:s0] =	ssyncadd.s32 $0xFFFFA000  }
0x75: {  	_ =	sfence.sel $0x180000  }
0x76: {  	[bflag:$0x0] =	sbarrier.arrive $0xFFFF  }
0x77: {  	_ =	strace $0x9000004A  }
0x78: {  	s0 =	stileid.u32;
	[bflag:$0x2] =	sbarrier.arrive $0xFFFF  }
0x79: {  	p0 =	sne.s32 s0, $0x0;
	s0 =	rddreg [dreg:$0x2]  }
0x7a: {  	s0 =	sadd.s32 @!p0 $0x100000, s0  }
0x7b: {  	[sflag:s0] =	ssyncadd.tile.s32 @!p0 $0x1;
	_ =	shalt  }
.Lfunc_end2:
_tile_overlayer_lowered:
.L_overlay_start_2:
0x7c: {  	(tag) =	ssettag $0x2  }
0x7d: {  	s0 =	rddreg [dreg:$0x0];
	s2 =	stileid.u32  }
0x7e: {  	s1 =	rddreg [dreg:$0x1];
	p0 =	sne.s32 s2, $0x0  }
0x7f: {  	s3 =	rddreg [dreg:$0x2];
	[bflag:$0x3] =	sbarrier.arrive $0xFFFF;
	s2 =	simm.s32 @!p0 $0x1C04  }
0x80: {  	[timem:s3], [sflag:s2] =	dma.local @!p0 [hbm:s0], s1  }
0x81: {  	s0 =	simm.s32 @!p0 $0x4  }
0x82: {  	_ =	swait.ge @!p0 [sflag:s0], s1  }
0x83: {  	s1 =	ssub.s32 @!p0 $0x0, s1;
	[sflag:s0] =	ssyncset.done @!p0 $0x0  }
0x84: {  	[sflag:s0] =	ssyncadd.s32 @!p0 s1  }
0x85: {  	[bflag:$0x3] =	sbarrier.arrive $0xFFFF  }
0x86: {  	_ =	shalt  }

</sc_bundles>
